<compile_context>
chip_gen: v7x
topology: tpu7x:2x2x1
jax: 0.10.2.dev20260603
libtpu: 0.0.44.dev20260713+nightly
codegen_flags: <defaults>
</compile_context>

<pallas_src>
import jax
import jax.numpy as jnp
from jax import lax
from jax.experimental import pallas as pl
from jax.experimental.pallas import tpu as pltpu
from jax.experimental.pallas import tpu_sc as plsc

N_VOCAB = 100000
N_EMBD = 128
N_TOKENS = 200
BATCH = 1024

_NC = 2
_NS = 16
_NW = _NC * _NS
_BPW = BATCH // _NW
_HL = 104
_PT = 2 * _HL
_NB = 4


def _body(x_ref, tab_ref, pos_ref, out_ref, idx_v, pos_sh, *rest):
    bufs = list(rest[:_NB])
    spf = list(rest[_NB:2 * _NB])
    sgs = list(rest[2 * _NB:3 * _NB])
    sos = list(rest[3 * _NB:4 * _NB])
    sid = lax.axis_index("s")
    wid = sid * _NC + lax.axis_index("c")
    base = wid * _BPW

    pltpu.sync_copy(x_ref.at[pl.ds(wid * _BPW, _BPW)], idx_v)

    @pl.when(sid == 0)
    def _():
        pltpu.sync_copy(pos_ref, pos_sh)

    plsc.subcore_barrier()

    def pf(r, q):
        pltpu.async_copy(pos_sh, bufs[q], spf[q])

    def wpf_g(r, q):
        pltpu.make_async_copy(pos_sh, bufs[q], spf[q]).wait()
        pltpu.async_copy(tab_ref.at[idx_v.at[r, 0]],
                         bufs[q].at[pl.ds(0, _HL)], sgs[q], add=True)
        pltpu.async_copy(tab_ref.at[idx_v.at[r, 1]],
                         bufs[q].at[pl.ds(_HL, _HL)], sgs[q], add=True)

    def wg_o(r, q):
        pltpu.make_async_copy(tab_ref.at[idx_v.at[r, 0]],
                              bufs[q].at[pl.ds(0, _HL)], sgs[q]).wait()
        pltpu.make_async_copy(tab_ref.at[idx_v.at[r, 1]],
                              bufs[q].at[pl.ds(_HL, _HL)], sgs[q]).wait()
        pltpu.async_copy(bufs[q].at[pl.ds(0, N_TOKENS)],
                         out_ref.at[base + r], sos[q])

    def wo(r, q):
        pltpu.make_async_copy(bufs[q].at[pl.ds(0, N_TOKENS)],
                              out_ref.at[base + r], sos[q]).wait()

    for r in range(_NB):
        pf(r, r)
        if r >= 1:
            wpf_g(r - 1, r - 1)
        if r >= 2:
            wg_o(r - 2, r - 2)

    def group(g, carry):
        r0 = _NB * g
        for q in range(_NB):
            r = r0 + q
            wo(r - _NB, q)
            pf(r, q)
            wpf_g(r - 1, (q + _NB - 1) % _NB)
            wg_o(r - 2, (q + _NB - 2) % _NB)
        return carry

    lax.fori_loop(1, _BPW // _NB, group, 0)

    last = _BPW - 1
    wpf_g(last, last % _NB)
    for r in range(_BPW - 2, _BPW):
        wg_o(r, r % _NB)
    for r in range(_BPW - _NB, _BPW):
        wo(r, r % _NB)


@jax.jit
def kernel(x, embedding_table, positional_embedding):
    xi = x.astype(jnp.int32)
    pad_idx = (jnp.arange(BATCH, dtype=jnp.int32)[:, None] * 131
               + jnp.arange(_PT - N_TOKENS, dtype=jnp.int32)[None, :] * 977
               ) % N_VOCAB
    x4 = jnp.stack(
        [xi[:, :_HL], jnp.concatenate([xi[:, _HL:], pad_idx], axis=1)],
        axis=1)
    pos_pad = jnp.pad(positional_embedding,
                      ((0, _PT - N_TOKENS), (0, 0)))
    mesh = plsc.VectorSubcoreMesh(
        core_axis_name="c", subcore_axis_name="s",
        num_cores=_NC, num_subcores=_NS)
    return pl.kernel(
        _body,
        out_type=jax.ShapeDtypeStruct((BATCH, N_TOKENS, N_EMBD), jnp.float32),
        mesh=mesh,
        scratch_types=[
            pltpu.VMEM((_BPW, 2, _HL), jnp.int32),
            pltpu.VMEM_SHARED((_PT, N_EMBD), jnp.float32),
        ] + [pltpu.VMEM((_PT, N_EMBD), jnp.float32)] * _NB
          + [pltpu.SemaphoreType.DMA] * (3 * _NB),
    )(x4, embedding_table, pos_pad)

# --- scband reference (transcript-rebuilt; emitter-appended) ---
"""Pipeline reference for scband-clipembedding-14508399526066 (READ-ONLY COPY).

The authoritative reference and input builder live on the scoring server;
editing this copy changes nothing except your own understanding.
"""

import jax, jax.numpy as jnp
import numpy as np

N_VOCAB = 100000
N_EMBD = 128
N_TOKENS = 200
BATCH = 1024

def setup_inputs(seed: int = 0) -> dict:
    key = jax.random.key(seed)
    k1, k2, k3 = jax.random.split(key, 3)
    x = jax.random.randint(k1, (BATCH, N_TOKENS), 0, N_VOCAB, dtype=jnp.int64 if jax.config.jax_enable_x64 else jnp.int32)
    embedding_table = jax.random.normal(k2, (N_VOCAB, N_EMBD), dtype=jnp.float32)
    positional_embedding = jax.random.normal(k3, (N_TOKENS, N_EMBD), dtype=jnp.float32)
    return {"x": x, "embedding_table": embedding_table, "positional_embedding": positional_embedding}

def reference(x, embedding_table, positional_embedding):
    # nn.Embedding lookup: gather rows of the table
    emb = jnp.take(embedding_table, x, axis=0)  # [B, T, D]
    # add positional embedding (broadcast over batch)
    out = emb + positional_embedding[None, :, :]
    return out

if __name__ == "__main__":
    import jax
    _d = setup_inputs()
    print(jax.jit(kernel)(*tuple(_d.values())))

</pallas_src>

<mosaic_0001>
#map = affine_map<(d0, d1) -> (0, 0, 0)>
#map1 = affine_map<(d0, d1) -> (0, 0)>
module attributes {stable_mosaic.version = 14 : i64} {
  func.func @_body(%arg0: i32, %arg1: i32, %arg2: memref<1024x2x104xi32, #tpu.memory_space<hbm>>, %arg3: memref<100000x128xf32, #tpu.memory_space<hbm>>, %arg4: memref<208x128xf32, #tpu.memory_space<hbm>>, %arg5: memref<1024x200x128xf32, #tpu.memory_space<hbm>>, %arg6: memref<32x2x104xi32, #tpu.memory_space<vmem>>, %arg7: memref<208x128xf32, #tpu.memory_space<vmem_shared>>, %arg8: memref<208x128xf32, #tpu.memory_space<vmem>>, %arg9: memref<208x128xf32, #tpu.memory_space<vmem>>, %arg10: memref<208x128xf32, #tpu.memory_space<vmem>>, %arg11: memref<208x128xf32, #tpu.memory_space<vmem>>, %arg12: memref<!tpu.dma_semaphore, #tpu.memory_space<semaphore_mem>>, %arg13: memref<!tpu.dma_semaphore, #tpu.memory_space<semaphore_mem>>, %arg14: memref<!tpu.dma_semaphore, #tpu.memory_space<semaphore_mem>>, %arg15: memref<!tpu.dma_semaphore, #tpu.memory_space<semaphore_mem>>, %arg16: memref<!tpu.dma_semaphore, #tpu.memory_space<semaphore_mem>>, %arg17: memref<!tpu.dma_semaphore, #tpu.memory_space<semaphore_mem>>, %arg18: memref<!tpu.dma_semaphore, #tpu.memory_space<semaphore_mem>>, %arg19: memref<!tpu.dma_semaphore, #tpu.memory_space<semaphore_mem>>, %arg20: memref<!tpu.dma_semaphore, #tpu.memory_space<semaphore_mem>>, %arg21: memref<!tpu.dma_semaphore, #tpu.memory_space<semaphore_mem>>, %arg22: memref<!tpu.dma_semaphore, #tpu.memory_space<semaphore_mem>>, %arg23: memref<!tpu.dma_semaphore, #tpu.memory_space<semaphore_mem>>) attributes {dimension_semantics = [#tpu.dimension_semantics<core_parallel>, #tpu.dimension_semantics<subcore_parallel>], iteration_bounds = array<i64: 2, 16>, scalar_prefetch = 0 : i64, scratch_operands = 18 : i64, tpu.core_type = #tpu.core_type<sc_vector_subcore>, window_params = [{transform_indices = #map}, {transform_indices = #map1}, {transform_indices = #map1}, {transform_indices = #map}]} {
    %mul3A = arith.constant 2 : i32
    %mul3A_0 = arith.muli %arg1, %mul3A : i32
    %add3A = arith.addi %mul3A_0, %arg0 : i32
    %mul3A_1 = arith.constant 32 : i32
    %mul3A_2 = arith.muli %add3A, %mul3A_1 : i32
    %mul3A_3 = arith.constant 32 : i32
    %mul3A_4 = arith.muli %add3A, %mul3A_3 : i32
    "tpu.region"() ({
      %run_scoped3A = tpu.sem_alloc : memref<!tpu.dma_semaphore, #tpu.memory_space<semaphore_mem>>
      %dma_start3A_314 = arith.constant 0 : i32
      %dma_start3A_315 = arith.constant 0 : i32
      %dma_start3A_316 = tpu.memref_slice %arg2[%mul3A_4, %dma_start3A_314, %dma_start3A_315] : memref<1024x2x104xi32, #tpu.memory_space<hbm>> -> memref<32x2x104xi32, #tpu.memory_space<hbm>>
      %dma_start3A_317 = arith.constant 0 : i32
      %dma_start3A_318 = arith.constant 0 : i32
      %dma_start3A_319 = tpu.memref_slice %arg2[%mul3A_4, %dma_start3A_317, %dma_start3A_318] : memref<1024x2x104xi32, #tpu.memory_space<hbm>> -> memref<32x2x104xi32, #tpu.memory_space<hbm>>
      tpu.enqueue_dma source(%dma_start3A_319 : memref<32x2x104xi32, #tpu.memory_space<hbm>>) target(%arg6 : memref<32x2x104xi32, #tpu.memory_space<vmem>>) target_semaphore(%run_scoped3A : memref<!tpu.dma_semaphore, #tpu.memory_space<semaphore_mem>>)
      %dma_wait3A_320 = arith.constant 0 : i32
      %dma_wait3A_321 = arith.constant 0 : i32
      %dma_wait3A_322 = tpu.memref_slice %arg2[%mul3A_4, %dma_wait3A_320, %dma_wait3A_321] : memref<1024x2x104xi32, #tpu.memory_space<hbm>> -> memref<32x2x104xi32, #tpu.memory_space<hbm>>
      %dma_wait3A_323 = arith.constant 0 : i32
      %dma_wait3A_324 = arith.constant 0 : i32
      %dma_wait3A_325 = tpu.memref_slice %arg2[%mul3A_4, %dma_wait3A_323, %dma_wait3A_324] : memref<1024x2x104xi32, #tpu.memory_space<hbm>> -> memref<32x2x104xi32, #tpu.memory_space<hbm>>
      tpu.wait_dma2 semaphore(%run_scoped3A : memref<!tpu.dma_semaphore, #tpu.memory_space<semaphore_mem>>) src(%dma_wait3A_325 : memref<32x2x104xi32, #tpu.memory_space<hbm>>) dst(%arg6 : memref<32x2x104xi32, #tpu.memory_space<vmem>>)
      tpu.yield
    }) : () -> ()
    %eq3A = arith.constant 0 : i32
    %eq3A_5 = arith.cmpi eq, %arg1, %eq3A : i32
    %convert_element_type3A = arith.extui %eq3A_5 : i1 to i32
    %cond3A = arith.constant 0 : i32
    %cond3A_6 = arith.cmpi ne, %convert_element_type3A, %cond3A : i32
    scf.if %cond3A_6 {
      "tpu.region"() ({
        %run_scoped3A = tpu.sem_alloc : memref<!tpu.dma_semaphore, #tpu.memory_space<semaphore_mem>>
        tpu.enqueue_dma source(%arg4 : memref<208x128xf32, #tpu.memory_space<hbm>>) target(%arg7 : memref<208x128xf32, #tpu.memory_space<vmem_shared>>) target_semaphore(%run_scoped3A : memref<!tpu.dma_semaphore, #tpu.memory_space<semaphore_mem>>)
        tpu.wait_dma2 semaphore(%run_scoped3A : memref<!tpu.dma_semaphore, #tpu.memory_space<semaphore_mem>>) src(%arg4 : memref<208x128xf32, #tpu.memory_space<hbm>>) dst(%arg7 : memref<208x128xf32, #tpu.memory_space<vmem_shared>>)
        tpu.yield
      }) : () -> ()
    } else {
    }
    %barrier3A = arith.constant 0 : index
    tpu.barrier barrier_id(%barrier3A)
    tpu.enqueue_dma source(%arg7 : memref<208x128xf32, #tpu.memory_space<vmem_shared>>) target(%arg8 : memref<208x128xf32, #tpu.memory_space<vmem>>) target_semaphore(%arg12 : memref<!tpu.dma_semaphore, #tpu.memory_space<semaphore_mem>>)
    tpu.enqueue_dma source(%arg7 : memref<208x128xf32, #tpu.memory_space<vmem_shared>>) target(%arg9 : memref<208x128xf32, #tpu.memory_space<vmem>>) target_semaphore(%arg13 : memref<!tpu.dma_semaphore, #tpu.memory_space<semaphore_mem>>)
    tpu.wait_dma2 semaphore(%arg12 : memref<!tpu.dma_semaphore, #tpu.memory_space<semaphore_mem>>) src(%arg7 : memref<208x128xf32, #tpu.memory_space<vmem_shared>>) dst(%arg8 : memref<208x128xf32, #tpu.memory_space<vmem>>)
    %dma_start3A = arith.constant 0 : i32
    %dma_start3A_7 = arith.constant 0 : i32
    %dma_start3A_8 = arith.constant 0 : i32
    %dma_start3A_9 = arith.constant 0 : i32
    %dma_start3A_10 = tpu.memref_slice %arg8[%dma_start3A_8, %dma_start3A_9] : memref<208x128xf32, #tpu.memory_space<vmem>> -> memref<104x128xf32, #tpu.memory_space<vmem>>
    %dma_start3A_11 = arith.constant 0 : i32
    %dma_start3A_12 = tpu.memref_slice %arg6[%dma_start3A, %dma_start3A_7, %dma_start3A_11] : memref<32x2x104xi32, #tpu.memory_space<vmem>> -> memref<1x1x104xi32, #tpu.memory_space<vmem>>
    %dma_start3A_13 = tpu.memref_squeeze %dma_start3A_12 : memref<1x1x104xi32, #tpu.memory_space<vmem>> -> memref<104xi32, #tpu.memory_space<vmem>>
    %dma_start3A_14 = arith.constant 0 : i32
    %dma_start3A_15 = arith.constant 0 : i32
    %dma_start3A_16 = tpu.memref_slice %arg3[%dma_start3A_14, %dma_start3A_15] : memref<100000x128xf32, #tpu.memory_space<hbm>> -> memref<100000x128xf32, #tpu.memory_space<hbm>>
    tpu.enqueue_indirect_dma source(%dma_start3A_16 : memref<100000x128xf32, #tpu.memory_space<hbm>>) target(%dma_start3A_10 : memref<104x128xf32, #tpu.memory_space<vmem>>) offsets(%dma_start3A_13 : memref<104xi32, #tpu.memory_space<vmem>>) semaphore(%arg16 : memref<!tpu.dma_semaphore, #tpu.memory_space<semaphore_mem>>) {add = true}
    %dma_start3A_17 = arith.constant 0 : i32
    %dma_start3A_18 = arith.constant 1 : i32
    %dma_start3A_19 = arith.constant 104 : i32
    %dma_start3A_20 = arith.constant 0 : i32
    %dma_start3A_21 = tpu.memref_slice %arg8[%dma_start3A_19, %dma_start3A_20] : memref<208x128xf32, #tpu.memory_space<vmem>> -> memref<104x128xf32, #tpu.memory_space<vmem>>
    %dma_start3A_22 = arith.constant 0 : i32
    %dma_start3A_23 = tpu.memref_slice %arg6[%dma_start3A_17, %dma_start3A_18, %dma_start3A_22] : memref<32x2x104xi32, #tpu.memory_space<vmem>> -> memref<1x1x104xi32, #tpu.memory_space<vmem>>
    %dma_start3A_24 = tpu.memref_squeeze %dma_start3A_23 : memref<1x1x104xi32, #tpu.memory_space<vmem>> -> memref<104xi32, #tpu.memory_space<vmem>>
    %dma_start3A_25 = arith.constant 0 : i32
    %dma_start3A_26 = arith.constant 0 : i32
    %dma_start3A_27 = tpu.memref_slice %arg3[%dma_start3A_25, %dma_start3A_26] : memref<100000x128xf32, #tpu.memory_space<hbm>> -> memref<100000x128xf32, #tpu.memory_space<hbm>>
    tpu.enqueue_indirect_dma source(%dma_start3A_27 : memref<100000x128xf32, #tpu.memory_space<hbm>>) target(%dma_start3A_21 : memref<104x128xf32, #tpu.memory_space<vmem>>) offsets(%dma_start3A_24 : memref<104xi32, #tpu.memory_space<vmem>>) semaphore(%arg16 : memref<!tpu.dma_semaphore, #tpu.memory_space<semaphore_mem>>) {add = true}
    tpu.enqueue_dma source(%arg7 : memref<208x128xf32, #tpu.memory_space<vmem_shared>>) target(%arg10 : memref<208x128xf32, #tpu.memory_space<vmem>>) target_semaphore(%arg14 : memref<!tpu.dma_semaphore, #tpu.memory_space<semaphore_mem>>)
    tpu.wait_dma2 semaphore(%arg13 : memref<!tpu.dma_semaphore, #tpu.memory_space<semaphore_mem>>) src(%arg7 : memref<208x128xf32, #tpu.memory_space<vmem_shared>>) dst(%arg9 : memref<208x128xf32, #tpu.memory_space<vmem>>)
    %dma_start3A_28 = arith.constant 1 : i32
    %dma_start3A_29 = arith.constant 0 : i32
    %dma_start3A_30 = arith.constant 0 : i32
    %dma_start3A_31 = arith.constant 0 : i32
    %dma_start3A_32 = tpu.memref_slice %arg9[%dma_start3A_30, %dma_start3A_31] : memref<208x128xf32, #tpu.memory_space<vmem>> -> memref<104x128xf32, #tpu.memory_space<vmem>>
    %dma_start3A_33 = arith.constant 0 : i32
    %dma_start3A_34 = tpu.memref_slice %arg6[%dma_start3A_28, %dma_start3A_29, %dma_start3A_33] : memref<32x2x104xi32, #tpu.memory_space<vmem>> -> memref<1x1x104xi32, #tpu.memory_space<vmem>>
    %dma_start3A_35 = tpu.memref_squeeze %dma_start3A_34 : memref<1x1x104xi32, #tpu.memory_space<vmem>> -> memref<104xi32, #tpu.memory_space<vmem>>
    %dma_start3A_36 = arith.constant 0 : i32
    %dma_start3A_37 = arith.constant 0 : i32
    %dma_start3A_38 = tpu.memref_slice %arg3[%dma_start3A_36, %dma_start3A_37] : memref<100000x128xf32, #tpu.memory_space<hbm>> -> memref<100000x128xf32, #tpu.memory_space<hbm>>
    tpu.enqueue_indirect_dma source(%dma_start3A_38 : memref<100000x128xf32, #tpu.memory_space<hbm>>) target(%dma_start3A_32 : memref<104x128xf32, #tpu.memory_space<vmem>>) offsets(%dma_start3A_35 : memref<104xi32, #tpu.memory_space<vmem>>) semaphore(%arg17 : memref<!tpu.dma_semaphore, #tpu.memory_space<semaphore_mem>>) {add = true}
    %dma_start3A_39 = arith.constant 1 : i32
    %dma_start3A_40 = arith.constant 1 : i32
    %dma_start3A_41 = arith.constant 104 : i32
    %dma_start3A_42 = arith.constant 0 : i32
    %dma_start3A_43 = tpu.memref_slice %arg9[%dma_start3A_41, %dma_start3A_42] : memref<208x128xf32, #tpu.memory_space<vmem>> -> memref<104x128xf32, #tpu.memory_space<vmem>>
    %dma_start3A_44 = arith.constant 0 : i32
    %dma_start3A_45 = tpu.memref_slice %arg6[%dma_start3A_39, %dma_start3A_40, %dma_start3A_44] : memref<32x2x104xi32, #tpu.memory_space<vmem>> -> memref<1x1x104xi32, #tpu.memory_space<vmem>>
    %dma_start3A_46 = tpu.memref_squeeze %dma_start3A_45 : memref<1x1x104xi32, #tpu.memory_space<vmem>> -> memref<104xi32, #tpu.memory_space<vmem>>
    %dma_start3A_47 = arith.constant 0 : i32
    %dma_start3A_48 = arith.constant 0 : i32
    %dma_start3A_49 = tpu.memref_slice %arg3[%dma_start3A_47, %dma_start3A_48] : memref<100000x128xf32, #tpu.memory_space<hbm>> -> memref<100000x128xf32, #tpu.memory_space<hbm>>
    tpu.enqueue_indirect_dma source(%dma_start3A_49 : memref<100000x128xf32, #tpu.memory_space<hbm>>) target(%dma_start3A_43 : memref<104x128xf32, #tpu.memory_space<vmem>>) offsets(%dma_start3A_46 : memref<104xi32, #tpu.memory_space<vmem>>) semaphore(%arg17 : memref<!tpu.dma_semaphore, #tpu.memory_space<semaphore_mem>>) {add = true}
    %dma_wait3A = arith.constant 0 : i32
    %dma_wait3A_50 = arith.constant 0 : i32
    %dma_wait3A_51 = arith.constant 0 : i32
    %dma_wait3A_52 = arith.constant 0 : i32
    %dma_wait3A_53 = tpu.memref_slice %arg8[%dma_wait3A_51, %dma_wait3A_52] : memref<208x128xf32, #tpu.memory_space<vmem>> -> memref<104x128xf32, #tpu.memory_space<vmem>>
    %dma_wait3A_54 = arith.constant 0 : i32
    %dma_wait3A_55 = tpu.memref_slice %arg6[%dma_wait3A, %dma_wait3A_50, %dma_wait3A_54] : memref<32x2x104xi32, #tpu.memory_space<vmem>> -> memref<1x1x104xi32, #tpu.memory_space<vmem>>
    %dma_wait3A_56 = tpu.memref_squeeze %dma_wait3A_55 : memref<1x1x104xi32, #tpu.memory_space<vmem>> -> memref<104xi32, #tpu.memory_space<vmem>>
    %dma_wait3A_57 = arith.constant 0 : i32
    %dma_wait3A_58 = arith.constant 0 : i32
    %dma_wait3A_59 = tpu.memref_slice %arg3[%dma_wait3A_57, %dma_wait3A_58] : memref<100000x128xf32, #tpu.memory_space<hbm>> -> memref<100000x128xf32, #tpu.memory_space<hbm>>
    tpu.wait_indirect_dma semaphore(%arg16 : memref<!tpu.dma_semaphore, #tpu.memory_space<semaphore_mem>>) src(%dma_wait3A_59 : memref<100000x128xf32, #tpu.memory_space<hbm>>) dst(%dma_wait3A_53 : memref<104x128xf32, #tpu.memory_space<vmem>>)
    %dma_wait3A_60 = arith.constant 0 : i32
    %dma_wait3A_61 = arith.constant 1 : i32
    %dma_wait3A_62 = arith.constant 104 : i32
    %dma_wait3A_63 = arith.constant 0 : i32
    %dma_wait3A_64 = tpu.memref_slice %arg8[%dma_wait3A_62, %dma_wait3A_63] : memref<208x128xf32, #tpu.memory_space<vmem>> -> memref<104x128xf32, #tpu.memory_space<vmem>>
    %dma_wait3A_65 = arith.constant 0 : i32
    %dma_wait3A_66 = tpu.memref_slice %arg6[%dma_wait3A_60, %dma_wait3A_61, %dma_wait3A_65] : memref<32x2x104xi32, #tpu.memory_space<vmem>> -> memref<1x1x104xi32, #tpu.memory_space<vmem>>
    %dma_wait3A_67 = tpu.memref_squeeze %dma_wait3A_66 : memref<1x1x104xi32, #tpu.memory_space<vmem>> -> memref<104xi32, #tpu.memory_space<vmem>>
    %dma_wait3A_68 = arith.constant 0 : i32
    %dma_wait3A_69 = arith.constant 0 : i32
    %dma_wait3A_70 = tpu.memref_slice %arg3[%dma_wait3A_68, %dma_wait3A_69] : memref<100000x128xf32, #tpu.memory_space<hbm>> -> memref<100000x128xf32, #tpu.memory_space<hbm>>
    tpu.wait_indirect_dma semaphore(%arg16 : memref<!tpu.dma_semaphore, #tpu.memory_space<semaphore_mem>>) src(%dma_wait3A_70 : memref<100000x128xf32, #tpu.memory_space<hbm>>) dst(%dma_wait3A_64 : memref<104x128xf32, #tpu.memory_space<vmem>>)
    %add3A_71 = arith.constant 0 : i32
    %add3A_72 = arith.addi %mul3A_2, %add3A_71 : i32
    %dma_start3A_73 = arith.constant 0 : i32
    %dma_start3A_74 = arith.constant 0 : i32
    %dma_start3A_75 = tpu.memref_slice %arg8[%dma_start3A_73, %dma_start3A_74] : memref<208x128xf32, #tpu.memory_space<vmem>> -> memref<200x128xf32, #tpu.memory_space<vmem>>
    %dma_start3A_76 = arith.constant 0 : i32
    %dma_start3A_77 = arith.constant 0 : i32
    %dma_start3A_78 = tpu.memref_slice %arg5[%add3A_72, %dma_start3A_76, %dma_start3A_77] : memref<1024x200x128xf32, #tpu.memory_space<hbm>> -> memref<1x200x128xf32, #tpu.memory_space<hbm>>
    %dma_start3A_79 = tpu.memref_squeeze %dma_start3A_78 : memref<1x200x128xf32, #tpu.memory_space<hbm>> -> memref<200x128xf32, #tpu.memory_space<hbm>>
    %dma_start3A_80 = arith.constant 0 : i32
    %dma_start3A_81 = arith.constant 0 : i32
    %dma_start3A_82 = tpu.memref_slice %arg5[%add3A_72, %dma_start3A_80, %dma_start3A_81] : memref<1024x200x128xf32, #tpu.memory_space<hbm>> -> memref<1x200x128xf32, #tpu.memory_space<hbm>>
    %dma_start3A_83 = tpu.memref_squeeze %dma_start3A_82 : memref<1x200x128xf32, #tpu.memory_space<hbm>> -> memref<200x128xf32, #tpu.memory_space<hbm>>
    %dma_start3A_84 = arith.constant 0 : i32
    %dma_start3A_85 = arith.constant 0 : i32
    %dma_start3A_86 = tpu.memref_slice %arg8[%dma_start3A_84, %dma_start3A_85] : memref<208x128xf32, #tpu.memory_space<vmem>> -> memref<200x128xf32, #tpu.memory_space<vmem>>
    tpu.enqueue_dma source(%dma_start3A_86 : memref<200x128xf32, #tpu.memory_space<vmem>>) target(%dma_start3A_83 : memref<200x128xf32, #tpu.memory_space<hbm>>) target_semaphore(%arg20 : memref<!tpu.dma_semaphore, #tpu.memory_space<semaphore_mem>>)
    tpu.enqueue_dma source(%arg7 : memref<208x128xf32, #tpu.memory_space<vmem_shared>>) target(%arg11 : memref<208x128xf32, #tpu.memory_space<vmem>>) target_semaphore(%arg15 : memref<!tpu.dma_semaphore, #tpu.memory_space<semaphore_mem>>)
    tpu.wait_dma2 semaphore(%arg14 : memref<!tpu.dma_semaphore, #tpu.memory_space<semaphore_mem>>) src(%arg7 : memref<208x128xf32, #tpu.memory_space<vmem_shared>>) dst(%arg10 : memref<208x128xf32, #tpu.memory_space<vmem>>)
    %dma_start3A_87 = arith.constant 2 : i32
    %dma_start3A_88 = arith.constant 0 : i32
    %dma_start3A_89 = arith.constant 0 : i32
    %dma_start3A_90 = arith.constant 0 : i32
    %dma_start3A_91 = tpu.memref_slice %arg10[%dma_start3A_89, %dma_start3A_90] : memref<208x128xf32, #tpu.memory_space<vmem>> -> memref<104x128xf32, #tpu.memory_space<vmem>>
    %dma_start3A_92 = arith.constant 0 : i32
    %dma_start3A_93 = tpu.memref_slice %arg6[%dma_start3A_87, %dma_start3A_88, %dma_start3A_92] : memref<32x2x104xi32, #tpu.memory_space<vmem>> -> memref<1x1x104xi32, #tpu.memory_space<vmem>>
    %dma_start3A_94 = tpu.memref_squeeze %dma_start3A_93 : memref<1x1x104xi32, #tpu.memory_space<vmem>> -> memref<104xi32, #tpu.memory_space<vmem>>
    %dma_start3A_95 = arith.constant 0 : i32
    %dma_start3A_96 = arith.constant 0 : i32
    %dma_start3A_97 = tpu.memref_slice %arg3[%dma_start3A_95, %dma_start3A_96] : memref<100000x128xf32, #tpu.memory_space<hbm>> -> memref<100000x128xf32, #tpu.memory_space<hbm>>
    tpu.enqueue_indirect_dma source(%dma_start3A_97 : memref<100000x128xf32, #tpu.memory_space<hbm>>) target(%dma_start3A_91 : memref<104x128xf32, #tpu.memory_space<vmem>>) offsets(%dma_start3A_94 : memref<104xi32, #tpu.memory_space<vmem>>) semaphore(%arg18 : memref<!tpu.dma_semaphore, #tpu.memory_space<semaphore_mem>>) {add = true}
    %dma_start3A_98 = arith.constant 2 : i32
    %dma_start3A_99 = arith.constant 1 : i32
    %dma_start3A_100 = arith.constant 104 : i32
    %dma_start3A_101 = arith.constant 0 : i32
    %dma_start3A_102 = tpu.memref_slice %arg10[%dma_start3A_100, %dma_start3A_101] : memref<208x128xf32, #tpu.memory_space<vmem>> -> memref<104x128xf32, #tpu.memory_space<vmem>>
    %dma_start3A_103 = arith.constant 0 : i32
    %dma_start3A_104 = tpu.memref_slice %arg6[%dma_start3A_98, %dma_start3A_99, %dma_start3A_103] : memref<32x2x104xi32, #tpu.memory_space<vmem>> -> memref<1x1x104xi32, #tpu.memory_space<vmem>>
    %dma_start3A_105 = tpu.memref_squeeze %dma_start3A_104 : memref<1x1x104xi32, #tpu.memory_space<vmem>> -> memref<104xi32, #tpu.memory_space<vmem>>
    %dma_start3A_106 = arith.constant 0 : i32
    %dma_start3A_107 = arith.constant 0 : i32
    %dma_start3A_108 = tpu.memref_slice %arg3[%dma_start3A_106, %dma_start3A_107] : memref<100000x128xf32, #tpu.memory_space<hbm>> -> memref<100000x128xf32, #tpu.memory_space<hbm>>
    tpu.enqueue_indirect_dma source(%dma_start3A_108 : memref<100000x128xf32, #tpu.memory_space<hbm>>) target(%dma_start3A_102 : memref<104x128xf32, #tpu.memory_space<vmem>>) offsets(%dma_start3A_105 : memref<104xi32, #tpu.memory_space<vmem>>) semaphore(%arg18 : memref<!tpu.dma_semaphore, #tpu.memory_space<semaphore_mem>>) {add = true}
    %dma_wait3A_109 = arith.constant 1 : i32
    %dma_wait3A_110 = arith.constant 0 : i32
    %dma_wait3A_111 = arith.constant 0 : i32
    %dma_wait3A_112 = arith.constant 0 : i32
    %dma_wait3A_113 = tpu.memref_slice %arg9[%dma_wait3A_111, %dma_wait3A_112] : memref<208x128xf32, #tpu.memory_space<vmem>> -> memref<104x128xf32, #tpu.memory_space<vmem>>
    %dma_wait3A_114 = arith.constant 0 : i32
    %dma_wait3A_115 = tpu.memref_slice %arg6[%dma_wait3A_109, %dma_wait3A_110, %dma_wait3A_114] : memref<32x2x104xi32, #tpu.memory_space<vmem>> -> memref<1x1x104xi32, #tpu.memory_space<vmem>>
    %dma_wait3A_116 = tpu.memref_squeeze %dma_wait3A_115 : memref<1x1x104xi32, #tpu.memory_space<vmem>> -> memref<104xi32, #tpu.memory_space<vmem>>
    %dma_wait3A_117 = arith.constant 0 : i32
    %dma_wait3A_118 = arith.constant 0 : i32
    %dma_wait3A_119 = tpu.memref_slice %arg3[%dma_wait3A_117, %dma_wait3A_118] : memref<100000x128xf32, #tpu.memory_space<hbm>> -> memref<100000x128xf32, #tpu.memory_space<hbm>>
    tpu.wait_indirect_dma semaphore(%arg17 : memref<!tpu.dma_semaphore, #tpu.memory_space<semaphore_mem>>) src(%dma_wait3A_119 : memref<100000x128xf32, #tpu.memory_space<hbm>>) dst(%dma_wait3A_113 : memref<104x128xf32, #tpu.memory_space<vmem>>)
    %dma_wait3A_120 = arith.constant 1 : i32
    %dma_wait3A_121 = arith.constant 1 : i32
    %dma_wait3A_122 = arith.constant 104 : i32
    %dma_wait3A_123 = arith.constant 0 : i32
    %dma_wait3A_124 = tpu.memref_slice %arg9[%dma_wait3A_122, %dma_wait3A_123] : memref<208x128xf32, #tpu.memory_space<vmem>> -> memref<104x128xf32, #tpu.memory_space<vmem>>
    %dma_wait3A_125 = arith.constant 0 : i32
    %dma_wait3A_126 = tpu.memref_slice %arg6[%dma_wait3A_120, %dma_wait3A_121, %dma_wait3A_125] : memref<32x2x104xi32, #tpu.memory_space<vmem>> -> memref<1x1x104xi32, #tpu.memory_space<vmem>>
    %dma_wait3A_127 = tpu.memref_squeeze %dma_wait3A_126 : memref<1x1x104xi32, #tpu.memory_space<vmem>> -> memref<104xi32, #tpu.memory_space<vmem>>
    %dma_wait3A_128 = arith.constant 0 : i32
    %dma_wait3A_129 = arith.constant 0 : i32
    %dma_wait3A_130 = tpu.memref_slice %arg3[%dma_wait3A_128, %dma_wait3A_129] : memref<100000x128xf32, #tpu.memory_space<hbm>> -> memref<100000x128xf32, #tpu.memory_space<hbm>>
    tpu.wait_indirect_dma semaphore(%arg17 : memref<!tpu.dma_semaphore, #tpu.memory_space<semaphore_mem>>) src(%dma_wait3A_130 : memref<100000x128xf32, #tpu.memory_space<hbm>>) dst(%dma_wait3A_124 : memref<104x128xf32, #tpu.memory_space<vmem>>)
    %add3A_131 = arith.constant 1 : i32
    %add3A_132 = arith.addi %mul3A_2, %add3A_131 : i32
    %dma_start3A_133 = arith.constant 0 : i32
    %dma_start3A_134 = arith.constant 0 : i32
    %dma_start3A_135 = tpu.memref_slice %arg9[%dma_start3A_133, %dma_start3A_134] : memref<208x128xf32, #tpu.memory_space<vmem>> -> memref<200x128xf32, #tpu.memory_space<vmem>>
    %dma_start3A_136 = arith.constant 0 : i32
    %dma_start3A_137 = arith.constant 0 : i32
    %dma_start3A_138 = tpu.memref_slice %arg5[%add3A_132, %dma_start3A_136, %dma_start3A_137] : memref<1024x200x128xf32, #tpu.memory_space<hbm>> -> memref<1x200x128xf32, #tpu.memory_space<hbm>>
    %dma_start3A_139 = tpu.memref_squeeze %dma_start3A_138 : memref<1x200x128xf32, #tpu.memory_space<hbm>> -> memref<200x128xf32, #tpu.memory_space<hbm>>
    %dma_start3A_140 = arith.constant 0 : i32
    %dma_start3A_141 = arith.constant 0 : i32
    %dma_start3A_142 = tpu.memref_slice %arg5[%add3A_132, %dma_start3A_140, %dma_start3A_141] : memref<1024x200x128xf32, #tpu.memory_space<hbm>> -> memref<1x200x128xf32, #tpu.memory_space<hbm>>
    %dma_start3A_143 = tpu.memref_squeeze %dma_start3A_142 : memref<1x200x128xf32, #tpu.memory_space<hbm>> -> memref<200x128xf32, #tpu.memory_space<hbm>>
    %dma_start3A_144 = arith.constant 0 : i32
    %dma_start3A_145 = arith.constant 0 : i32
    %dma_start3A_146 = tpu.memref_slice %arg9[%dma_start3A_144, %dma_start3A_145] : memref<208x128xf32, #tpu.memory_space<vmem>> -> memref<200x128xf32, #tpu.memory_space<vmem>>
    tpu.enqueue_dma source(%dma_start3A_146 : memref<200x128xf32, #tpu.memory_space<vmem>>) target(%dma_start3A_143 : memref<200x128xf32, #tpu.memory_space<hbm>>) target_semaphore(%arg21 : memref<!tpu.dma_semaphore, #tpu.memory_space<semaphore_mem>>)
    %scan3A = arith.constant 0 : i32
    %scan3A_147 = arith.constant 1 : i32
    %scan3A_148 = arith.constant 7 : i32
    %scan3A_149 = arith.addi %scan3A_147, %scan3A_148 : i32
    %scan3A_150 = arith.constant 1 : i32
    scf.for %scan3A_314 = %scan3A_147 to %scan3A_149 step %scan3A_150  : i32 {
      %mul3A_315 = arith.constant 4 : i32
      %mul3A_316 = arith.muli %mul3A_315, %scan3A_314 : i32
      %add3A_317 = arith.constant 0 : i32
      %add3A_318 = arith.addi %mul3A_316, %add3A_317 : i32
      %sub3A = arith.constant 4 : i32
      %sub3A_319 = arith.subi %add3A_318, %sub3A : i32
      %add3A_320 = arith.addi %mul3A_2, %sub3A_319 : i32
      %dma_wait3A_321 = arith.constant 0 : i32
      %dma_wait3A_322 = arith.constant 0 : i32
      %dma_wait3A_323 = tpu.memref_slice %arg8[%dma_wait3A_321, %dma_wait3A_322] : memref<208x128xf32, #tpu.memory_space<vmem>> -> memref<200x128xf32, #tpu.memory_space<vmem>>
      %dma_wait3A_324 = arith.constant 0 : i32
      %dma_wait3A_325 = arith.constant 0 : i32
      %dma_wait3A_326 = tpu.memref_slice %arg5[%add3A_320, %dma_wait3A_324, %dma_wait3A_325] : memref<1024x200x128xf32, #tpu.memory_space<hbm>> -> memref<1x200x128xf32, #tpu.memory_space<hbm>>
      %dma_wait3A_327 = tpu.memref_squeeze %dma_wait3A_326 : memref<1x200x128xf32, #tpu.memory_space<hbm>> -> memref<200x128xf32, #tpu.memory_space<hbm>>
      %dma_wait3A_328 = arith.constant 0 : i32
      %dma_wait3A_329 = arith.constant 0 : i32
      %dma_wait3A_330 = tpu.memref_slice %arg5[%add3A_320, %dma_wait3A_328, %dma_wait3A_329] : memref<1024x200x128xf32, #tpu.memory_space<hbm>> -> memref<1x200x128xf32, #tpu.memory_space<hbm>>
      %dma_wait3A_331 = tpu.memref_squeeze %dma_wait3A_330 : memref<1x200x128xf32, #tpu.memory_space<hbm>> -> memref<200x128xf32, #tpu.memory_space<hbm>>
      %dma_wait3A_332 = arith.constant 0 : i32
      %dma_wait3A_333 = arith.constant 0 : i32
      %dma_wait3A_334 = tpu.memref_slice %arg8[%dma_wait3A_332, %dma_wait3A_333] : memref<208x128xf32, #tpu.memory_space<vmem>> -> memref<200x128xf32, #tpu.memory_space<vmem>>
      tpu.wait_dma2 semaphore(%arg20 : memref<!tpu.dma_semaphore, #tpu.memory_space<semaphore_mem>>) src(%dma_wait3A_334 : memref<200x128xf32, #tpu.memory_space<vmem>>) dst(%dma_wait3A_331 : memref<200x128xf32, #tpu.memory_space<hbm>>)
      tpu.enqueue_dma source(%arg7 : memref<208x128xf32, #tpu.memory_space<vmem_shared>>) target(%arg8 : memref<208x128xf32, #tpu.memory_space<vmem>>) target_semaphore(%arg12 : memref<!tpu.dma_semaphore, #tpu.memory_space<semaphore_mem>>)
      %sub3A_335 = arith.constant 1 : i32
      %sub3A_336 = arith.subi %add3A_318, %sub3A_335 : i32
      tpu.wait_dma2 semaphore(%arg15 : memref<!tpu.dma_semaphore, #tpu.memory_space<semaphore_mem>>) src(%arg7 : memref<208x128xf32, #tpu.memory_space<vmem_shared>>) dst(%arg11 : memref<208x128xf32, #tpu.memory_space<vmem>>)
      %dma_start3A_337 = arith.constant 0 : i32
      %dma_start3A_338 = arith.constant 0 : i32
      %dma_start3A_339 = arith.constant 0 : i32
      %dma_start3A_340 = tpu.memref_slice %arg11[%dma_start3A_338, %dma_start3A_339] : memref<208x128xf32, #tpu.memory_space<vmem>> -> memref<104x128xf32, #tpu.memory_space<vmem>>
      %dma_start3A_341 = arith.constant 0 : i32
      %dma_start3A_342 = tpu.memref_slice %arg6[%sub3A_336, %dma_start3A_337, %dma_start3A_341] : memref<32x2x104xi32, #tpu.memory_space<vmem>> -> memref<1x1x104xi32, #tpu.memory_space<vmem>>
      %dma_start3A_343 = tpu.memref_squeeze %dma_start3A_342 : memref<1x1x104xi32, #tpu.memory_space<vmem>> -> memref<104xi32, #tpu.memory_space<vmem>>
      %dma_start3A_344 = arith.constant 0 : i32
      %dma_start3A_345 = arith.constant 0 : i32
      %dma_start3A_346 = tpu.memref_slice %arg3[%dma_start3A_344, %dma_start3A_345] : memref<100000x128xf32, #tpu.memory_space<hbm>> -> memref<100000x128xf32, #tpu.memory_space<hbm>>
      tpu.enqueue_indirect_dma source(%dma_start3A_346 : memref<100000x128xf32, #tpu.memory_space<hbm>>) target(%dma_start3A_340 : memref<104x128xf32, #tpu.memory_space<vmem>>) offsets(%dma_start3A_343 : memref<104xi32, #tpu.memory_space<vmem>>) semaphore(%arg19 : memref<!tpu.dma_semaphore, #tpu.memory_space<semaphore_mem>>) {add = true}
      %dma_start3A_347 = arith.constant 1 : i32
      %dma_start3A_348 = arith.constant 104 : i32
      %dma_start3A_349 = arith.constant 0 : i32
      %dma_start3A_350 = tpu.memref_slice %arg11[%dma_start3A_348, %dma_start3A_349] : memref<208x128xf32, #tpu.memory_space<vmem>> -> memref<104x128xf32, #tpu.memory_space<vmem>>
      %dma_start3A_351 = arith.constant 0 : i32
      %dma_start3A_352 = tpu.memref_slice %arg6[%sub3A_336, %dma_start3A_347, %dma_start3A_351] : memref<32x2x104xi32, #tpu.memory_space<vmem>> -> memref<1x1x104xi32, #tpu.memory_space<vmem>>
      %dma_start3A_353 = tpu.memref_squeeze %dma_start3A_352 : memref<1x1x104xi32, #tpu.memory_space<vmem>> -> memref<104xi32, #tpu.memory_space<vmem>>
      %dma_start3A_354 = arith.constant 0 : i32
      %dma_start3A_355 = arith.constant 0 : i32
      %dma_start3A_356 = tpu.memref_slice %arg3[%dma_start3A_354, %dma_start3A_355] : memref<100000x128xf32, #tpu.memory_space<hbm>> -> memref<100000x128xf32, #tpu.memory_space<hbm>>
      tpu.enqueue_indirect_dma source(%dma_start3A_356 : memref<100000x128xf32, #tpu.memory_space<hbm>>) target(%dma_start3A_350 : memref<104x128xf32, #tpu.memory_space<vmem>>) offsets(%dma_start3A_353 : memref<104xi32, #tpu.memory_space<vmem>>) semaphore(%arg19 : memref<!tpu.dma_semaphore, #tpu.memory_space<semaphore_mem>>) {add = true}
      %sub3A_357 = arith.constant 2 : i32
      %sub3A_358 = arith.subi %add3A_318, %sub3A_357 : i32
      %dma_wait3A_359 = arith.constant 0 : i32
      %dma_wait3A_360 = arith.constant 0 : i32
      %dma_wait3A_361 = arith.constant 0 : i32
      %dma_wait3A_362 = tpu.memref_slice %arg10[%dma_wait3A_360, %dma_wait3A_361] : memref<208x128xf32, #tpu.memory_space<vmem>> -> memref<104x128xf32, #tpu.memory_space<vmem>>
      %dma_wait3A_363 = arith.constant 0 : i32
      %dma_wait3A_364 = tpu.memref_slice %arg6[%sub3A_358, %dma_wait3A_359, %dma_wait3A_363] : memref<32x2x104xi32, #tpu.memory_space<vmem>> -> memref<1x1x104xi32, #tpu.memory_space<vmem>>
      %dma_wait3A_365 = tpu.memref_squeeze %dma_wait3A_364 : memref<1x1x104xi32, #tpu.memory_space<vmem>> -> memref<104xi32, #tpu.memory_space<vmem>>
      %dma_wait3A_366 = arith.constant 0 : i32
      %dma_wait3A_367 = arith.constant 0 : i32
      %dma_wait3A_368 = tpu.memref_slice %arg3[%dma_wait3A_366, %dma_wait3A_367] : memref<100000x128xf32, #tpu.memory_space<hbm>> -> memref<100000x128xf32, #tpu.memory_space<hbm>>
      tpu.wait_indirect_dma semaphore(%arg18 : memref<!tpu.dma_semaphore, #tpu.memory_space<semaphore_mem>>) src(%dma_wait3A_368 : memref<100000x128xf32, #tpu.memory_space<hbm>>) dst(%dma_wait3A_362 : memref<104x128xf32, #tpu.memory_space<vmem>>)
      %dma_wait3A_369 = arith.constant 1 : i32
      %dma_wait3A_370 = arith.constant 104 : i32
      %dma_wait3A_371 = arith.constant 0 : i32
      %dma_wait3A_372 = tpu.memref_slice %arg10[%dma_wait3A_370, %dma_wait3A_371] : memref<208x128xf32, #tpu.memory_space<vmem>> -> memref<104x128xf32, #tpu.memory_space<vmem>>
      %dma_wait3A_373 = arith.constant 0 : i32
      %dma_wait3A_374 = tpu.memref_slice %arg6[%sub3A_358, %dma_wait3A_369, %dma_wait3A_373] : memref<32x2x104xi32, #tpu.memory_space<vmem>> -> memref<1x1x104xi32, #tpu.memory_space<vmem>>
      %dma_wait3A_375 = tpu.memref_squeeze %dma_wait3A_374 : memref<1x1x104xi32, #tpu.memory_space<vmem>> -> memref<104xi32, #tpu.memory_space<vmem>>
      %dma_wait3A_376 = arith.constant 0 : i32
      %dma_wait3A_377 = arith.constant 0 : i32
      %dma_wait3A_378 = tpu.memref_slice %arg3[%dma_wait3A_376, %dma_wait3A_377] : memref<100000x128xf32, #tpu.memory_space<hbm>> -> memref<100000x128xf32, #tpu.memory_space<hbm>>
      tpu.wait_indirect_dma semaphore(%arg18 : memref<!tpu.dma_semaphore, #tpu.memory_space<semaphore_mem>>) src(%dma_wait3A_378 : memref<100000x128xf32, #tpu.memory_space<hbm>>) dst(%dma_wait3A_372 : memref<104x128xf32, #tpu.memory_space<vmem>>)
      %add3A_379 = arith.addi %mul3A_2, %sub3A_358 : i32
      %dma_start3A_380 = arith.constant 0 : i32
      %dma_start3A_381 = arith.constant 0 : i32
      %dma_start3A_382 = tpu.memref_slice %arg10[%dma_start3A_380, %dma_start3A_381] : memref<208x128xf32, #tpu.memory_space<vmem>> -> memref<200x128xf32, #tpu.memory_space<vmem>>
      %dma_start3A_383 = arith.constant 0 : i32
      %dma_start3A_384 = arith.constant 0 : i32
      %dma_start3A_385 = tpu.memref_slice %arg5[%add3A_379, %dma_start3A_383, %dma_start3A_384] : memref<1024x200x128xf32, #tpu.memory_space<hbm>> -> memref<1x200x128xf32, #tpu.memory_space<hbm>>
      %dma_start3A_386 = tpu.memref_squeeze %dma_start3A_385 : memref<1x200x128xf32, #tpu.memory_space<hbm>> -> memref<200x128xf32, #tpu.memory_space<hbm>>
      %dma_start3A_387 = arith.constant 0 : i32
      %dma_start3A_388 = arith.constant 0 : i32
      %dma_start3A_389 = tpu.memref_slice %arg5[%add3A_379, %dma_start3A_387, %dma_start3A_388] : memref<1024x200x128xf32, #tpu.memory_space<hbm>> -> memref<1x200x128xf32, #tpu.memory_space<hbm>>
      %dma_start3A_390 = tpu.memref_squeeze %dma_start3A_389 : memref<1x200x128xf32, #tpu.memory_space<hbm>> -> memref<200x128xf32, #tpu.memory_space<hbm>>
      %dma_start3A_391 = arith.constant 0 : i32
      %dma_start3A_392 = arith.constant 0 : i32
      %dma_start3A_393 = tpu.memref_slice %arg10[%dma_start3A_391, %dma_start3A_392] : memref<208x128xf32, #tpu.memory_space<vmem>> -> memref<200x128xf32, #tpu.memory_space<vmem>>
      tpu.enqueue_dma source(%dma_start3A_393 : memref<200x128xf32, #tpu.memory_space<vmem>>) target(%dma_start3A_390 : memref<200x128xf32, #tpu.memory_space<hbm>>) target_semaphore(%arg22 : memref<!tpu.dma_semaphore, #tpu.memory_space<semaphore_mem>>)
      %add3A_394 = arith.constant 1 : i32
      %add3A_395 = arith.addi %mul3A_316, %add3A_394 : i32
      %sub3A_396 = arith.constant 4 : i32
      %sub3A_397 = arith.subi %add3A_395, %sub3A_396 : i32
      %add3A_398 = arith.addi %mul3A_2, %sub3A_397 : i32
      %dma_wait3A_399 = arith.constant 0 : i32
      %dma_wait3A_400 = arith.constant 0 : i32
      %dma_wait3A_401 = tpu.memref_slice %arg9[%dma_wait3A_399, %dma_wait3A_400] : memref<208x128xf32, #tpu.memory_space<vmem>> -> memref<200x128xf32, #tpu.memory_space<vmem>>
      %dma_wait3A_402 = arith.constant 0 : i32
      %dma_wait3A_403 = arith.constant 0 : i32
      %dma_wait3A_404 = tpu.memref_slice %arg5[%add3A_398, %dma_wait3A_402, %dma_wait3A_403] : memref<1024x200x128xf32, #tpu.memory_space<hbm>> -> memref<1x200x128xf32, #tpu.memory_space<hbm>>
      %dma_wait3A_405 = tpu.memref_squeeze %dma_wait3A_404 : memref<1x200x128xf32, #tpu.memory_space<hbm>> -> memref<200x128xf32, #tpu.memory_space<hbm>>
      %dma_wait3A_406 = arith.constant 0 : i32
      %dma_wait3A_407 = arith.constant 0 : i32
      %dma_wait3A_408 = tpu.memref_slice %arg5[%add3A_398, %dma_wait3A_406, %dma_wait3A_407] : memref<1024x200x128xf32, #tpu.memory_space<hbm>> -> memref<1x200x128xf32, #tpu.memory_space<hbm>>
      %dma_wait3A_409 = tpu.memref_squeeze %dma_wait3A_408 : memref<1x200x128xf32, #tpu.memory_space<hbm>> -> memref<200x128xf32, #tpu.memory_space<hbm>>
      %dma_wait3A_410 = arith.constant 0 : i32
      %dma_wait3A_411 = arith.constant 0 : i32
      %dma_wait3A_412 = tpu.memref_slice %arg9[%dma_wait3A_410, %dma_wait3A_411] : memref<208x128xf32, #tpu.memory_space<vmem>> -> memref<200x128xf32, #tpu.memory_space<vmem>>
      tpu.wait_dma2 semaphore(%arg21 : memref<!tpu.dma_semaphore, #tpu.memory_space<semaphore_mem>>) src(%dma_wait3A_412 : memref<200x128xf32, #tpu.memory_space<vmem>>) dst(%dma_wait3A_409 : memref<200x128xf32, #tpu.memory_space<hbm>>)
      tpu.enqueue_dma source(%arg7 : memref<208x128xf32, #tpu.memory_space<vmem_shared>>) target(%arg9 : memref<208x128xf32, #tpu.memory_space<vmem>>) target_semaphore(%arg13 : memref<!tpu.dma_semaphore, #tpu.memory_space<semaphore_mem>>)
      %sub3A_413 = arith.constant 1 : i32
      %sub3A_414 = arith.subi %add3A_395, %sub3A_413 : i32
      tpu.wait_dma2 semaphore(%arg12 : memref<!tpu.dma_semaphore, #tpu.memory_space<semaphore_mem>>) src(%arg7 : memref<208x128xf32, #tpu.memory_space<vmem_shared>>) dst(%arg8 : memref<208x128xf32, #tpu.memory_space<vmem>>)
      %dma_start3A_415 = arith.constant 0 : i32
      %dma_start3A_416 = arith.constant 0 : i32
      %dma_start3A_417 = arith.constant 0 : i32
      %dma_start3A_418 = tpu.memref_slice %arg8[%dma_start3A_416, %dma_start3A_417] : memref<208x128xf32, #tpu.memory_space<vmem>> -> memref<104x128xf32, #tpu.memory_space<vmem>>
      %dma_start3A_419 = arith.constant 0 : i32
      %dma_start3A_420 = tpu.memref_slice %arg6[%sub3A_414, %dma_start3A_415, %dma_start3A_419] : memref<32x2x104xi32, #tpu.memory_space<vmem>> -> memref<1x1x104xi32, #tpu.memory_space<vmem>>
      %dma_start3A_421 = tpu.memref_squeeze %dma_start3A_420 : memref<1x1x104xi32, #tpu.memory_space<vmem>> -> memref<104xi32, #tpu.memory_space<vmem>>
      %dma_start3A_422 = arith.constant 0 : i32
      %dma_start3A_423 = arith.constant 0 : i32
      %dma_start3A_424 = tpu.memref_slice %arg3[%dma_start3A_422, %dma_start3A_423] : memref<100000x128xf32, #tpu.memory_space<hbm>> -> memref<100000x128xf32, #tpu.memory_space<hbm>>
      tpu.enqueue_indirect_dma source(%dma_start3A_424 : memref<100000x128xf32, #tpu.memory_space<hbm>>) target(%dma_start3A_418 : memref<104x128xf32, #tpu.memory_space<vmem>>) offsets(%dma_start3A_421 : memref<104xi32, #tpu.memory_space<vmem>>) semaphore(%arg16 : memref<!tpu.dma_semaphore, #tpu.memory_space<semaphore_mem>>) {add = true}
      %dma_start3A_425 = arith.constant 1 : i32
      %dma_start3A_426 = arith.constant 104 : i32
      %dma_start3A_427 = arith.constant 0 : i32
      %dma_start3A_428 = tpu.memref_slice %arg8[%dma_start3A_426, %dma_start3A_427] : memref<208x128xf32, #tpu.memory_space<vmem>> -> memref<104x128xf32, #tpu.memory_space<vmem>>
      %dma_start3A_429 = arith.constant 0 : i32
      %dma_start3A_430 = tpu.memref_slice %arg6[%sub3A_414, %dma_start3A_425, %dma_start3A_429] : memref<32x2x104xi32, #tpu.memory_space<vmem>> -> memref<1x1x104xi32, #tpu.memory_space<vmem>>
      %dma_start3A_431 = tpu.memref_squeeze %dma_start3A_430 : memref<1x1x104xi32, #tpu.memory_space<vmem>> -> memref<104xi32, #tpu.memory_space<vmem>>
      %dma_start3A_432 = arith.constant 0 : i32
      %dma_start3A_433 = arith.constant 0 : i32
      %dma_start3A_434 = tpu.memref_slice %arg3[%dma_start3A_432, %dma_start3A_433] : memref<100000x128xf32, #tpu.memory_space<hbm>> -> memref<100000x128xf32, #tpu.memory_space<hbm>>
      tpu.enqueue_indirect_dma source(%dma_start3A_434 : memref<100000x128xf32, #tpu.memory_space<hbm>>) target(%dma_start3A_428 : memref<104x128xf32, #tpu.memory_space<vmem>>) offsets(%dma_start3A_431 : memref<104xi32, #tpu.memory_space<vmem>>) semaphore(%arg16 : memref<!tpu.dma_semaphore, #tpu.memory_space<semaphore_mem>>) {add = true}
      %sub3A_435 = arith.constant 2 : i32
      %sub3A_436 = arith.subi %add3A_395, %sub3A_435 : i32
      %dma_wait3A_437 = arith.constant 0 : i32
      %dma_wait3A_438 = arith.constant 0 : i32
      %dma_wait3A_439 = arith.constant 0 : i32
      %dma_wait3A_440 = tpu.memref_slice %arg11[%dma_wait3A_438, %dma_wait3A_439] : memref<208x128xf32, #tpu.memory_space<vmem>> -> memref<104x128xf32, #tpu.memory_space<vmem>>
      %dma_wait3A_441 = arith.constant 0 : i32
      %dma_wait3A_442 = tpu.memref_slice %arg6[%sub3A_436, %dma_wait3A_437, %dma_wait3A_441] : memref<32x2x104xi32, #tpu.memory_space<vmem>> -> memref<1x1x104xi32, #tpu.memory_space<vmem>>
      %dma_wait3A_443 = tpu.memref_squeeze %dma_wait3A_442 : memref<1x1x104xi32, #tpu.memory_space<vmem>> -> memref<104xi32, #tpu.memory_space<vmem>>
      %dma_wait3A_444 = arith.constant 0 : i32
      %dma_wait3A_445 = arith.constant 0 : i32
      %dma_wait3A_446 = tpu.memref_slice %arg3[%dma_wait3A_444, %dma_wait3A_445] : memref<100000x128xf32, #tpu.memory_space<hbm>> -> memref<100000x128xf32, #tpu.memory_space<hbm>>
      tpu.wait_indirect_dma semaphore(%arg19 : memref<!tpu.dma_semaphore, #tpu.memory_space<semaphore_mem>>) src(%dma_wait3A_446 : memref<100000x128xf32, #tpu.memory_space<hbm>>) dst(%dma_wait3A_440 : memref<104x128xf32, #tpu.memory_space<vmem>>)
      %dma_wait3A_447 = arith.constant 1 : i32
      %dma_wait3A_448 = arith.constant 104 : i32
      %dma_wait3A_449 = arith.constant 0 : i32
      %dma_wait3A_450 = tpu.memref_slice %arg11[%dma_wait3A_448, %dma_wait3A_449] : memref<208x128xf32, #tpu.memory_space<vmem>> -> memref<104x128xf32, #tpu.memory_space<vmem>>
      %dma_wait3A_451 = arith.constant 0 : i32
      %dma_wait3A_452 = tpu.memref_slice %arg6[%sub3A_436, %dma_wait3A_447, %dma_wait3A_451] : memref<32x2x104xi32, #tpu.memory_space<vmem>> -> memref<1x1x104xi32, #tpu.memory_space<vmem>>
      %dma_wait3A_453 = tpu.memref_squeeze %dma_wait3A_452 : memref<1x1x104xi32, #tpu.memory_space<vmem>> -> memref<104xi32, #tpu.memory_space<vmem>>
      %dma_wait3A_454 = arith.constant 0 : i32
      %dma_wait3A_455 = arith.constant 0 : i32
      %dma_wait3A_456 = tpu.memref_slice %arg3[%dma_wait3A_454, %dma_wait3A_455] : memref<100000x128xf32, #tpu.memory_space<hbm>> -> memref<100000x128xf32, #tpu.memory_space<hbm>>
      tpu.wait_indirect_dma semaphore(%arg19 : memref<!tpu.dma_semaphore, #tpu.memory_space<semaphore_mem>>) src(%dma_wait3A_456 : memref<100000x128xf32, #tpu.memory_space<hbm>>) dst(%dma_wait3A_450 : memref<104x128xf32, #tpu.memory_space<vmem>>)
      %add3A_457 = arith.addi %mul3A_2, %sub3A_436 : i32
      %dma_start3A_458 = arith.constant 0 : i32
      %dma_start3A_459 = arith.constant 0 : i32
      %dma_start3A_460 = tpu.memref_slice %arg11[%dma_start3A_458, %dma_start3A_459] : memref<208x128xf32, #tpu.memory_space<vmem>> -> memref<200x128xf32, #tpu.memory_space<vmem>>
      %dma_start3A_461 = arith.constant 0 : i32
      %dma_start3A_462 = arith.constant 0 : i32
      %dma_start3A_463 = tpu.memref_slice %arg5[%add3A_457, %dma_start3A_461, %dma_start3A_462] : memref<1024x200x128xf32, #tpu.memory_space<hbm>> -> memref<1x200x128xf32, #tpu.memory_space<hbm>>
      %dma_start3A_464 = tpu.memref_squeeze %dma_start3A_463 : memref<1x200x128xf32, #tpu.memory_space<hbm>> -> memref<200x128xf32, #tpu.memory_space<hbm>>
      %dma_start3A_465 = arith.constant 0 : i32
      %dma_start3A_466 = arith.constant 0 : i32
      %dma_start3A_467 = tpu.memref_slice %arg5[%add3A_457, %dma_start3A_465, %dma_start3A_466] : memref<1024x200x128xf32, #tpu.memory_space<hbm>> -> memref<1x200x128xf32, #tpu.memory_space<hbm>>
      %dma_start3A_468 = tpu.memref_squeeze %dma_start3A_467 : memref<1x200x128xf32, #tpu.memory_space<hbm>> -> memref<200x128xf32, #tpu.memory_space<hbm>>
      %dma_start3A_469 = arith.constant 0 : i32
      %dma_start3A_470 = arith.constant 0 : i32
      %dma_start3A_471 = tpu.memref_slice %arg11[%dma_start3A_469, %dma_start3A_470] : memref<208x128xf32, #tpu.memory_space<vmem>> -> memref<200x128xf32, #tpu.memory_space<vmem>>
      tpu.enqueue_dma source(%dma_start3A_471 : memref<200x128xf32, #tpu.memory_space<vmem>>) target(%dma_start3A_468 : memref<200x128xf32, #tpu.memory_space<hbm>>) target_semaphore(%arg23 : memref<!tpu.dma_semaphore, #tpu.memory_space<semaphore_mem>>)
      %add3A_472 = arith.constant 2 : i32
      %add3A_473 = arith.addi %mul3A_316, %add3A_472 : i32
      %sub3A_474 = arith.constant 4 : i32
      %sub3A_475 = arith.subi %add3A_473, %sub3A_474 : i32
      %add3A_476 = arith.addi %mul3A_2, %sub3A_475 : i32
      %dma_wait3A_477 = arith.constant 0 : i32
      %dma_wait3A_478 = arith.constant 0 : i32
      %dma_wait3A_479 = tpu.memref_slice %arg10[%dma_wait3A_477, %dma_wait3A_478] : memref<208x128xf32, #tpu.memory_space<vmem>> -> memref<200x128xf32, #tpu.memory_space<vmem>>
      %dma_wait3A_480 = arith.constant 0 : i32
      %dma_wait3A_481 = arith.constant 0 : i32
      %dma_wait3A_482 = tpu.memref_slice %arg5[%add3A_476, %dma_wait3A_480, %dma_wait3A_481] : memref<1024x200x128xf32, #tpu.memory_space<hbm>> -> memref<1x200x128xf32, #tpu.memory_space<hbm>>
      %dma_wait3A_483 = tpu.memref_squeeze %dma_wait3A_482 : memref<1x200x128xf32, #tpu.memory_space<hbm>> -> memref<200x128xf32, #tpu.memory_space<hbm>>
      %dma_wait3A_484 = arith.constant 0 : i32
      %dma_wait3A_485 = arith.constant 0 : i32
      %dma_wait3A_486 = tpu.memref_slice %arg5[%add3A_476, %dma_wait3A_484, %dma_wait3A_485] : memref<1024x200x128xf32, #tpu.memory_space<hbm>> -> memref<1x200x128xf32, #tpu.memory_space<hbm>>
      %dma_wait3A_487 = tpu.memref_squeeze %dma_wait3A_486 : memref<1x200x128xf32, #tpu.memory_space<hbm>> -> memref<200x128xf32, #tpu.memory_space<hbm>>
      %dma_wait3A_488 = arith.constant 0 : i32
      %dma_wait3A_489 = arith.constant 0 : i32
      %dma_wait3A_490 = tpu.memref_slice %arg10[%dma_wait3A_488, %dma_wait3A_489] : memref<208x128xf32, #tpu.memory_space<vmem>> -> memref<200x128xf32, #tpu.memory_space<vmem>>
      tpu.wait_dma2 semaphore(%arg22 : memref<!tpu.dma_semaphore, #tpu.memory_space<semaphore_mem>>) src(%dma_wait3A_490 : memref<200x128xf32, #tpu.memory_space<vmem>>) dst(%dma_wait3A_487 : memref<200x128xf32, #tpu.memory_space<hbm>>)
      tpu.enqueue_dma source(%arg7 : memref<208x128xf32, #tpu.memory_space<vmem_shared>>) target(%arg10 : memref<208x128xf32, #tpu.memory_space<vmem>>) target_semaphore(%arg14 : memref<!tpu.dma_semaphore, #tpu.memory_space<semaphore_mem>>)
      %sub3A_491 = arith.constant 1 : i32
      %sub3A_492 = arith.subi %add3A_473, %sub3A_491 : i32
      tpu.wait_dma2 semaphore(%arg13 : memref<!tpu.dma_semaphore, #tpu.memory_space<semaphore_mem>>) src(%arg7 : memref<208x128xf32, #tpu.memory_space<vmem_shared>>) dst(%arg9 : memref<208x128xf32, #tpu.memory_space<vmem>>)
      %dma_start3A_493 = arith.constant 0 : i32
      %dma_start3A_494 = arith.constant 0 : i32
      %dma_start3A_495 = arith.constant 0 : i32
      %dma_start3A_496 = tpu.memref_slice %arg9[%dma_start3A_494, %dma_start3A_495] : memref<208x128xf32, #tpu.memory_space<vmem>> -> memref<104x128xf32, #tpu.memory_space<vmem>>
      %dma_start3A_497 = arith.constant 0 : i32
      %dma_start3A_498 = tpu.memref_slice %arg6[%sub3A_492, %dma_start3A_493, %dma_start3A_497] : memref<32x2x104xi32, #tpu.memory_space<vmem>> -> memref<1x1x104xi32, #tpu.memory_space<vmem>>
      %dma_start3A_499 = tpu.memref_squeeze %dma_start3A_498 : memref<1x1x104xi32, #tpu.memory_space<vmem>> -> memref<104xi32, #tpu.memory_space<vmem>>
      %dma_start3A_500 = arith.constant 0 : i32
      %dma_start3A_501 = arith.constant 0 : i32
      %dma_start3A_502 = tpu.memref_slice %arg3[%dma_start3A_500, %dma_start3A_501] : memref<100000x128xf32, #tpu.memory_space<hbm>> -> memref<100000x128xf32, #tpu.memory_space<hbm>>
      tpu.enqueue_indirect_dma source(%dma_start3A_502 : memref<100000x128xf32, #tpu.memory_space<hbm>>) target(%dma_start3A_496 : memref<104x128xf32, #tpu.memory_space<vmem>>) offsets(%dma_start3A_499 : memref<104xi32, #tpu.memory_space<vmem>>) semaphore(%arg17 : memref<!tpu.dma_semaphore, #tpu.memory_space<semaphore_mem>>) {add = true}
      %dma_start3A_503 = arith.constant 1 : i32
      %dma_start3A_504 = arith.constant 104 : i32
      %dma_start3A_505 = arith.constant 0 : i32
      %dma_start3A_506 = tpu.memref_slice %arg9[%dma_start3A_504, %dma_start3A_505] : memref<208x128xf32, #tpu.memory_space<vmem>> -> memref<104x128xf32, #tpu.memory_space<vmem>>
      %dma_start3A_507 = arith.constant 0 : i32
      %dma_start3A_508 = tpu.memref_slice %arg6[%sub3A_492, %dma_start3A_503, %dma_start3A_507] : memref<32x2x104xi32, #tpu.memory_space<vmem>> -> memref<1x1x104xi32, #tpu.memory_space<vmem>>
      %dma_start3A_509 = tpu.memref_squeeze %dma_start3A_508 : memref<1x1x104xi32, #tpu.memory_space<vmem>> -> memref<104xi32, #tpu.memory_space<vmem>>
      %dma_start3A_510 = arith.constant 0 : i32
      %dma_start3A_511 = arith.constant 0 : i32
      %dma_start3A_512 = tpu.memref_slice %arg3[%dma_start3A_510, %dma_start3A_511] : memref<100000x128xf32, #tpu.memory_space<hbm>> -> memref<100000x128xf32, #tpu.memory_space<hbm>>
      tpu.enqueue_indirect_dma source(%dma_start3A_512 : memref<100000x128xf32, #tpu.memory_space<hbm>>) target(%dma_start3A_506 : memref<104x128xf32, #tpu.memory_space<vmem>>) offsets(%dma_start3A_509 : memref<104xi32, #tpu.memory_space<vmem>>) semaphore(%arg17 : memref<!tpu.dma_semaphore, #tpu.memory_space<semaphore_mem>>) {add = true}
      %sub3A_513 = arith.constant 2 : i32
      %sub3A_514 = arith.subi %add3A_473, %sub3A_513 : i32
      %dma_wait3A_515 = arith.constant 0 : i32
      %dma_wait3A_516 = arith.constant 0 : i32
      %dma_wait3A_517 = arith.constant 0 : i32
      %dma_wait3A_518 = tpu.memref_slice %arg8[%dma_wait3A_516, %dma_wait3A_517] : memref<208x128xf32, #tpu.memory_space<vmem>> -> memref<104x128xf32, #tpu.memory_space<vmem>>
      %dma_wait3A_519 = arith.constant 0 : i32
      %dma_wait3A_520 = tpu.memref_slice %arg6[%sub3A_514, %dma_wait3A_515, %dma_wait3A_519] : memref<32x2x104xi32, #tpu.memory_space<vmem>> -> memref<1x1x104xi32, #tpu.memory_space<vmem>>
      %dma_wait3A_521 = tpu.memref_squeeze %dma_wait3A_520 : memref<1x1x104xi32, #tpu.memory_space<vmem>> -> memref<104xi32, #tpu.memory_space<vmem>>
      %dma_wait3A_522 = arith.constant 0 : i32
      %dma_wait3A_523 = arith.constant 0 : i32
      %dma_wait3A_524 = tpu.memref_slice %arg3[%dma_wait3A_522, %dma_wait3A_523] : memref<100000x128xf32, #tpu.memory_space<hbm>> -> memref<100000x128xf32, #tpu.memory_space<hbm>>
      tpu.wait_indirect_dma semaphore(%arg16 : memref<!tpu.dma_semaphore, #tpu.memory_space<semaphore_mem>>) src(%dma_wait3A_524 : memref<100000x128xf32, #tpu.memory_space<hbm>>) dst(%dma_wait3A_518 : memref<104x128xf32, #tpu.memory_space<vmem>>)
      %dma_wait3A_525 = arith.constant 1 : i32
      %dma_wait3A_526 = arith.constant 104 : i32
      %dma_wait3A_527 = arith.constant 0 : i32
      %dma_wait3A_528 = tpu.memref_slice %arg8[%dma_wait3A_526, %dma_wait3A_527] : memref<208x128xf32, #tpu.memory_space<vmem>> -> memref<104x128xf32, #tpu.memory_space<vmem>>
      %dma_wait3A_529 = arith.constant 0 : i32
      %dma_wait3A_530 = tpu.memref_slice %arg6[%sub3A_514, %dma_wait3A_525, %dma_wait3A_529] : memref<32x2x104xi32, #tpu.memory_space<vmem>> -> memref<1x1x104xi32, #tpu.memory_space<vmem>>
      %dma_wait3A_531 = tpu.memref_squeeze %dma_wait3A_530 : memref<1x1x104xi32, #tpu.memory_space<vmem>> -> memref<104xi32, #tpu.memory_space<vmem>>
      %dma_wait3A_532 = arith.constant 0 : i32
      %dma_wait3A_533 = arith.constant 0 : i32
      %dma_wait3A_534 = tpu.memref_slice %arg3[%dma_wait3A_532, %dma_wait3A_533] : memref<100000x128xf32, #tpu.memory_space<hbm>> -> memref<100000x128xf32, #tpu.memory_space<hbm>>
      tpu.wait_indirect_dma semaphore(%arg16 : memref<!tpu.dma_semaphore, #tpu.memory_space<semaphore_mem>>) src(%dma_wait3A_534 : memref<100000x128xf32, #tpu.memory_space<hbm>>) dst(%dma_wait3A_528 : memref<104x128xf32, #tpu.memory_space<vmem>>)
      %add3A_535 = arith.addi %mul3A_2, %sub3A_514 : i32
      %dma_start3A_536 = arith.constant 0 : i32
      %dma_start3A_537 = arith.constant 0 : i32
      %dma_start3A_538 = tpu.memref_slice %arg8[%dma_start3A_536, %dma_start3A_537] : memref<208x128xf32, #tpu.memory_space<vmem>> -> memref<200x128xf32, #tpu.memory_space<vmem>>
      %dma_start3A_539 = arith.constant 0 : i32
      %dma_start3A_540 = arith.constant 0 : i32
      %dma_start3A_541 = tpu.memref_slice %arg5[%add3A_535, %dma_start3A_539, %dma_start3A_540] : memref<1024x200x128xf32, #tpu.memory_space<hbm>> -> memref<1x200x128xf32, #tpu.memory_space<hbm>>
      %dma_start3A_542 = tpu.memref_squeeze %dma_start3A_541 : memref<1x200x128xf32, #tpu.memory_space<hbm>> -> memref<200x128xf32, #tpu.memory_space<hbm>>
      %dma_start3A_543 = arith.constant 0 : i32
      %dma_start3A_544 = arith.constant 0 : i32
      %dma_start3A_545 = tpu.memref_slice %arg5[%add3A_535, %dma_start3A_543, %dma_start3A_544] : memref<1024x200x128xf32, #tpu.memory_space<hbm>> -> memref<1x200x128xf32, #tpu.memory_space<hbm>>
      %dma_start3A_546 = tpu.memref_squeeze %dma_start3A_545 : memref<1x200x128xf32, #tpu.memory_space<hbm>> -> memref<200x128xf32, #tpu.memory_space<hbm>>
      %dma_start3A_547 = arith.constant 0 : i32
      %dma_start3A_548 = arith.constant 0 : i32
      %dma_start3A_549 = tpu.memref_slice %arg8[%dma_start3A_547, %dma_start3A_548] : memref<208x128xf32, #tpu.memory_space<vmem>> -> memref<200x128xf32, #tpu.memory_space<vmem>>
      tpu.enqueue_dma source(%dma_start3A_549 : memref<200x128xf32, #tpu.memory_space<vmem>>) target(%dma_start3A_546 : memref<200x128xf32, #tpu.memory_space<hbm>>) target_semaphore(%arg20 : memref<!tpu.dma_semaphore, #tpu.memory_space<semaphore_mem>>)
      %add3A_550 = arith.constant 3 : i32
      %add3A_551 = arith.addi %mul3A_316, %add3A_550 : i32
      %sub3A_552 = arith.constant 4 : i32
      %sub3A_553 = arith.subi %add3A_551, %sub3A_552 : i32
      %add3A_554 = arith.addi %mul3A_2, %sub3A_553 : i32
      %dma_wait3A_555 = arith.constant 0 : i32
      %dma_wait3A_556 = arith.constant 0 : i32
      %dma_wait3A_557 = tpu.memref_slice %arg11[%dma_wait3A_555, %dma_wait3A_556] : memref<208x128xf32, #tpu.memory_space<vmem>> -> memref<200x128xf32, #tpu.memory_space<vmem>>
      %dma_wait3A_558 = arith.constant 0 : i32
      %dma_wait3A_559 = arith.constant 0 : i32
      %dma_wait3A_560 = tpu.memref_slice %arg5[%add3A_554, %dma_wait3A_558, %dma_wait3A_559] : memref<1024x200x128xf32, #tpu.memory_space<hbm>> -> memref<1x200x128xf32, #tpu.memory_space<hbm>>
      %dma_wait3A_561 = tpu.memref_squeeze %dma_wait3A_560 : memref<1x200x128xf32, #tpu.memory_space<hbm>> -> memref<200x128xf32, #tpu.memory_space<hbm>>
      %dma_wait3A_562 = arith.constant 0 : i32
      %dma_wait3A_563 = arith.constant 0 : i32
      %dma_wait3A_564 = tpu.memref_slice %arg5[%add3A_554, %dma_wait3A_562, %dma_wait3A_563] : memref<1024x200x128xf32, #tpu.memory_space<hbm>> -> memref<1x200x128xf32, #tpu.memory_space<hbm>>
      %dma_wait3A_565 = tpu.memref_squeeze %dma_wait3A_564 : memref<1x200x128xf32, #tpu.memory_space<hbm>> -> memref<200x128xf32, #tpu.memory_space<hbm>>
      %dma_wait3A_566 = arith.constant 0 : i32
      %dma_wait3A_567 = arith.constant 0 : i32
      %dma_wait3A_568 = tpu.memref_slice %arg11[%dma_wait3A_566, %dma_wait3A_567] : memref<208x128xf32, #tpu.memory_space<vmem>> -> memref<200x128xf32, #tpu.memory_space<vmem>>
      tpu.wait_dma2 semaphore(%arg23 : memref<!tpu.dma_semaphore, #tpu.memory_space<semaphore_mem>>) src(%dma_wait3A_568 : memref<200x128xf32, #tpu.memory_space<vmem>>) dst(%dma_wait3A_565 : memref<200x128xf32, #tpu.memory_space<hbm>>)
      tpu.enqueue_dma source(%arg7 : memref<208x128xf32, #tpu.memory_space<vmem_shared>>) target(%arg11 : memref<208x128xf32, #tpu.memory_space<vmem>>) target_semaphore(%arg15 : memref<!tpu.dma_semaphore, #tpu.memory_space<semaphore_mem>>)
      %sub3A_569 = arith.constant 1 : i32
      %sub3A_570 = arith.subi %add3A_551, %sub3A_569 : i32
      tpu.wait_dma2 semaphore(%arg14 : memref<!tpu.dma_semaphore, #tpu.memory_space<semaphore_mem>>) src(%arg7 : memref<208x128xf32, #tpu.memory_space<vmem_shared>>) dst(%arg10 : memref<208x128xf32, #tpu.memory_space<vmem>>)
      %dma_start3A_571 = arith.constant 0 : i32
      %dma_start3A_572 = arith.constant 0 : i32
      %dma_start3A_573 = arith.constant 0 : i32
      %dma_start3A_574 = tpu.memref_slice %arg10[%dma_start3A_572, %dma_start3A_573] : memref<208x128xf32, #tpu.memory_space<vmem>> -> memref<104x128xf32, #tpu.memory_space<vmem>>
      %dma_start3A_575 = arith.constant 0 : i32
      %dma_start3A_576 = tpu.memref_slice %arg6[%sub3A_570, %dma_start3A_571, %dma_start3A_575] : memref<32x2x104xi32, #tpu.memory_space<vmem>> -> memref<1x1x104xi32, #tpu.memory_space<vmem>>
      %dma_start3A_577 = tpu.memref_squeeze %dma_start3A_576 : memref<1x1x104xi32, #tpu.memory_space<vmem>> -> memref<104xi32, #tpu.memory_space<vmem>>
      %dma_start3A_578 = arith.constant 0 : i32
      %dma_start3A_579 = arith.constant 0 : i32
      %dma_start3A_580 = tpu.memref_slice %arg3[%dma_start3A_578, %dma_start3A_579] : memref<100000x128xf32, #tpu.memory_space<hbm>> -> memref<100000x128xf32, #tpu.memory_space<hbm>>
      tpu.enqueue_indirect_dma source(%dma_start3A_580 : memref<100000x128xf32, #tpu.memory_space<hbm>>) target(%dma_start3A_574 : memref<104x128xf32, #tpu.memory_space<vmem>>) offsets(%dma_start3A_577 : memref<104xi32, #tpu.memory_space<vmem>>) semaphore(%arg18 : memref<!tpu.dma_semaphore, #tpu.memory_space<semaphore_mem>>) {add = true}
      %dma_start3A_581 = arith.constant 1 : i32
      %dma_start3A_582 = arith.constant 104 : i32
      %dma_start3A_583 = arith.constant 0 : i32
      %dma_start3A_584 = tpu.memref_slice %arg10[%dma_start3A_582, %dma_start3A_583] : memref<208x128xf32, #tpu.memory_space<vmem>> -> memref<104x128xf32, #tpu.memory_space<vmem>>
      %dma_start3A_585 = arith.constant 0 : i32
      %dma_start3A_586 = tpu.memref_slice %arg6[%sub3A_570, %dma_start3A_581, %dma_start3A_585] : memref<32x2x104xi32, #tpu.memory_space<vmem>> -> memref<1x1x104xi32, #tpu.memory_space<vmem>>
      %dma_start3A_587 = tpu.memref_squeeze %dma_start3A_586 : memref<1x1x104xi32, #tpu.memory_space<vmem>> -> memref<104xi32, #tpu.memory_space<vmem>>
      %dma_start3A_588 = arith.constant 0 : i32
      %dma_start3A_589 = arith.constant 0 : i32
      %dma_start3A_590 = tpu.memref_slice %arg3[%dma_start3A_588, %dma_start3A_589] : memref<100000x128xf32, #tpu.memory_space<hbm>> -> memref<100000x128xf32, #tpu.memory_space<hbm>>
      tpu.enqueue_indirect_dma source(%dma_start3A_590 : memref<100000x128xf32, #tpu.memory_space<hbm>>) target(%dma_start3A_584 : memref<104x128xf32, #tpu.memory_space<vmem>>) offsets(%dma_start3A_587 : memref<104xi32, #tpu.memory_space<vmem>>) semaphore(%arg18 : memref<!tpu.dma_semaphore, #tpu.memory_space<semaphore_mem>>) {add = true}
      %sub3A_591 = arith.constant 2 : i32
      %sub3A_592 = arith.subi %add3A_551, %sub3A_591 : i32
      %dma_wait3A_593 = arith.constant 0 : i32
      %dma_wait3A_594 = arith.constant 0 : i32
      %dma_wait3A_595 = arith.constant 0 : i32
      %dma_wait3A_596 = tpu.memref_slice %arg9[%dma_wait3A_594, %dma_wait3A_595] : memref<208x128xf32, #tpu.memory_space<vmem>> -> memref<104x128xf32, #tpu.memory_space<vmem>>
      %dma_wait3A_597 = arith.constant 0 : i32
      %dma_wait3A_598 = tpu.memref_slice %arg6[%sub3A_592, %dma_wait3A_593, %dma_wait3A_597] : memref<32x2x104xi32, #tpu.memory_space<vmem>> -> memref<1x1x104xi32, #tpu.memory_space<vmem>>
      %dma_wait3A_599 = tpu.memref_squeeze %dma_wait3A_598 : memref<1x1x104xi32, #tpu.memory_space<vmem>> -> memref<104xi32, #tpu.memory_space<vmem>>
      %dma_wait3A_600 = arith.constant 0 : i32
      %dma_wait3A_601 = arith.constant 0 : i32
      %dma_wait3A_602 = tpu.memref_slice %arg3[%dma_wait3A_600, %dma_wait3A_601] : memref<100000x128xf32, #tpu.memory_space<hbm>> -> memref<100000x128xf32, #tpu.memory_space<hbm>>
      tpu.wait_indirect_dma semaphore(%arg17 : memref<!tpu.dma_semaphore, #tpu.memory_space<semaphore_mem>>) src(%dma_wait3A_602 : memref<100000x128xf32, #tpu.memory_space<hbm>>) dst(%dma_wait3A_596 : memref<104x128xf32, #tpu.memory_space<vmem>>)
      %dma_wait3A_603 = arith.constant 1 : i32
      %dma_wait3A_604 = arith.constant 104 : i32
      %dma_wait3A_605 = arith.constant 0 : i32
      %dma_wait3A_606 = tpu.memref_slice %arg9[%dma_wait3A_604, %dma_wait3A_605] : memref<208x128xf32, #tpu.memory_space<vmem>> -> memref<104x128xf32, #tpu.memory_space<vmem>>
      %dma_wait3A_607 = arith.constant 0 : i32
      %dma_wait3A_608 = tpu.memref_slice %arg6[%sub3A_592, %dma_wait3A_603, %dma_wait3A_607] : memref<32x2x104xi32, #tpu.memory_space<vmem>> -> memref<1x1x104xi32, #tpu.memory_space<vmem>>
      %dma_wait3A_609 = tpu.memref_squeeze %dma_wait3A_608 : memref<1x1x104xi32, #tpu.memory_space<vmem>> -> memref<104xi32, #tpu.memory_space<vmem>>
      %dma_wait3A_610 = arith.constant 0 : i32
      %dma_wait3A_611 = arith.constant 0 : i32
      %dma_wait3A_612 = tpu.memref_slice %arg3[%dma_wait3A_610, %dma_wait3A_611] : memref<100000x128xf32, #tpu.memory_space<hbm>> -> memref<100000x128xf32, #tpu.memory_space<hbm>>
      tpu.wait_indirect_dma semaphore(%arg17 : memref<!tpu.dma_semaphore, #tpu.memory_space<semaphore_mem>>) src(%dma_wait3A_612 : memref<100000x128xf32, #tpu.memory_space<hbm>>) dst(%dma_wait3A_606 : memref<104x128xf32, #tpu.memory_space<vmem>>)
      %add3A_613 = arith.addi %mul3A_2, %sub3A_592 : i32
      %dma_start3A_614 = arith.constant 0 : i32
      %dma_start3A_615 = arith.constant 0 : i32
      %dma_start3A_616 = tpu.memref_slice %arg9[%dma_start3A_614, %dma_start3A_615] : memref<208x128xf32, #tpu.memory_space<vmem>> -> memref<200x128xf32, #tpu.memory_space<vmem>>
      %dma_start3A_617 = arith.constant 0 : i32
      %dma_start3A_618 = arith.constant 0 : i32
      %dma_start3A_619 = tpu.memref_slice %arg5[%add3A_613, %dma_start3A_617, %dma_start3A_618] : memref<1024x200x128xf32, #tpu.memory_space<hbm>> -> memref<1x200x128xf32, #tpu.memory_space<hbm>>
      %dma_start3A_620 = tpu.memref_squeeze %dma_start3A_619 : memref<1x200x128xf32, #tpu.memory_space<hbm>> -> memref<200x128xf32, #tpu.memory_space<hbm>>
      %dma_start3A_621 = arith.constant 0 : i32
      %dma_start3A_622 = arith.constant 0 : i32
      %dma_start3A_623 = tpu.memref_slice %arg5[%add3A_613, %dma_start3A_621, %dma_start3A_622] : memref<1024x200x128xf32, #tpu.memory_space<hbm>> -> memref<1x200x128xf32, #tpu.memory_space<hbm>>
      %dma_start3A_624 = tpu.memref_squeeze %dma_start3A_623 : memref<1x200x128xf32, #tpu.memory_space<hbm>> -> memref<200x128xf32, #tpu.memory_space<hbm>>
      %dma_start3A_625 = arith.constant 0 : i32
      %dma_start3A_626 = arith.constant 0 : i32
      %dma_start3A_627 = tpu.memref_slice %arg9[%dma_start3A_625, %dma_start3A_626] : memref<208x128xf32, #tpu.memory_space<vmem>> -> memref<200x128xf32, #tpu.memory_space<vmem>>
      tpu.enqueue_dma source(%dma_start3A_627 : memref<200x128xf32, #tpu.memory_space<vmem>>) target(%dma_start3A_624 : memref<200x128xf32, #tpu.memory_space<hbm>>) target_semaphore(%arg21 : memref<!tpu.dma_semaphore, #tpu.memory_space<semaphore_mem>>)
    }
    %scan3A_151 = arith.constant 7 : i32
    tpu.wait_dma2 semaphore(%arg15 : memref<!tpu.dma_semaphore, #tpu.memory_space<semaphore_mem>>) src(%arg7 : memref<208x128xf32, #tpu.memory_space<vmem_shared>>) dst(%arg11 : memref<208x128xf32, #tpu.memory_space<vmem>>)
    %dma_start3A_152 = arith.constant 31 : i32
    %dma_start3A_153 = arith.constant 0 : i32
    %dma_start3A_154 = arith.constant 0 : i32
    %dma_start3A_155 = arith.constant 0 : i32
    %dma_start3A_156 = tpu.memref_slice %arg11[%dma_start3A_154, %dma_start3A_155] : memref<208x128xf32, #tpu.memory_space<vmem>> -> memref<104x128xf32, #tpu.memory_space<vmem>>
    %dma_start3A_157 = arith.constant 0 : i32
    %dma_start3A_158 = tpu.memref_slice %arg6[%dma_start3A_152, %dma_start3A_153, %dma_start3A_157] : memref<32x2x104xi32, #tpu.memory_space<vmem>> -> memref<1x1x104xi32, #tpu.memory_space<vmem>>
    %dma_start3A_159 = tpu.memref_squeeze %dma_start3A_158 : memref<1x1x104xi32, #tpu.memory_space<vmem>> -> memref<104xi32, #tpu.memory_space<vmem>>
    %dma_start3A_160 = arith.constant 0 : i32
    %dma_start3A_161 = arith.constant 0 : i32
    %dma_start3A_162 = tpu.memref_slice %arg3[%dma_start3A_160, %dma_start3A_161] : memref<100000x128xf32, #tpu.memory_space<hbm>> -> memref<100000x128xf32, #tpu.memory_space<hbm>>
    tpu.enqueue_indirect_dma source(%dma_start3A_162 : memref<100000x128xf32, #tpu.memory_space<hbm>>) target(%dma_start3A_156 : memref<104x128xf32, #tpu.memory_space<vmem>>) offsets(%dma_start3A_159 : memref<104xi32, #tpu.memory_space<vmem>>) semaphore(%arg19 : memref<!tpu.dma_semaphore, #tpu.memory_space<semaphore_mem>>) {add = true}
    %dma_start3A_163 = arith.constant 31 : i32
    %dma_start3A_164 = arith.constant 1 : i32
    %dma_start3A_165 = arith.constant 104 : i32
    %dma_start3A_166 = arith.constant 0 : i32
    %dma_start3A_167 = tpu.memref_slice %arg11[%dma_start3A_165, %dma_start3A_166] : memref<208x128xf32, #tpu.memory_space<vmem>> -> memref<104x128xf32, #tpu.memory_space<vmem>>
    %dma_start3A_168 = arith.constant 0 : i32
    %dma_start3A_169 = tpu.memref_slice %arg6[%dma_start3A_163, %dma_start3A_164, %dma_start3A_168] : memref<32x2x104xi32, #tpu.memory_space<vmem>> -> memref<1x1x104xi32, #tpu.memory_space<vmem>>
    %dma_start3A_170 = tpu.memref_squeeze %dma_start3A_169 : memref<1x1x104xi32, #tpu.memory_space<vmem>> -> memref<104xi32, #tpu.memory_space<vmem>>
    %dma_start3A_171 = arith.constant 0 : i32
    %dma_start3A_172 = arith.constant 0 : i32
    %dma_start3A_173 = tpu.memref_slice %arg3[%dma_start3A_171, %dma_start3A_172] : memref<100000x128xf32, #tpu.memory_space<hbm>> -> memref<100000x128xf32, #tpu.memory_space<hbm>>
    tpu.enqueue_indirect_dma source(%dma_start3A_173 : memref<100000x128xf32, #tpu.memory_space<hbm>>) target(%dma_start3A_167 : memref<104x128xf32, #tpu.memory_space<vmem>>) offsets(%dma_start3A_170 : memref<104xi32, #tpu.memory_space<vmem>>) semaphore(%arg19 : memref<!tpu.dma_semaphore, #tpu.memory_space<semaphore_mem>>) {add = true}
    %dma_wait3A_174 = arith.constant 30 : i32
    %dma_wait3A_175 = arith.constant 0 : i32
    %dma_wait3A_176 = arith.constant 0 : i32
    %dma_wait3A_177 = arith.constant 0 : i32
    %dma_wait3A_178 = tpu.memref_slice %arg10[%dma_wait3A_176, %dma_wait3A_177] : memref<208x128xf32, #tpu.memory_space<vmem>> -> memref<104x128xf32, #tpu.memory_space<vmem>>
    %dma_wait3A_179 = arith.constant 0 : i32
    %dma_wait3A_180 = tpu.memref_slice %arg6[%dma_wait3A_174, %dma_wait3A_175, %dma_wait3A_179] : memref<32x2x104xi32, #tpu.memory_space<vmem>> -> memref<1x1x104xi32, #tpu.memory_space<vmem>>
    %dma_wait3A_181 = tpu.memref_squeeze %dma_wait3A_180 : memref<1x1x104xi32, #tpu.memory_space<vmem>> -> memref<104xi32, #tpu.memory_space<vmem>>
    %dma_wait3A_182 = arith.constant 0 : i32
    %dma_wait3A_183 = arith.constant 0 : i32
    %dma_wait3A_184 = tpu.memref_slice %arg3[%dma_wait3A_182, %dma_wait3A_183] : memref<100000x128xf32, #tpu.memory_space<hbm>> -> memref<100000x128xf32, #tpu.memory_space<hbm>>
    tpu.wait_indirect_dma semaphore(%arg18 : memref<!tpu.dma_semaphore, #tpu.memory_space<semaphore_mem>>) src(%dma_wait3A_184 : memref<100000x128xf32, #tpu.memory_space<hbm>>) dst(%dma_wait3A_178 : memref<104x128xf32, #tpu.memory_space<vmem>>)
    %dma_wait3A_185 = arith.constant 30 : i32
    %dma_wait3A_186 = arith.constant 1 : i32
    %dma_wait3A_187 = arith.constant 104 : i32
    %dma_wait3A_188 = arith.constant 0 : i32
    %dma_wait3A_189 = tpu.memref_slice %arg10[%dma_wait3A_187, %dma_wait3A_188] : memref<208x128xf32, #tpu.memory_space<vmem>> -> memref<104x128xf32, #tpu.memory_space<vmem>>
    %dma_wait3A_190 = arith.constant 0 : i32
    %dma_wait3A_191 = tpu.memref_slice %arg6[%dma_wait3A_185, %dma_wait3A_186, %dma_wait3A_190] : memref<32x2x104xi32, #tpu.memory_space<vmem>> -> memref<1x1x104xi32, #tpu.memory_space<vmem>>
    %dma_wait3A_192 = tpu.memref_squeeze %dma_wait3A_191 : memref<1x1x104xi32, #tpu.memory_space<vmem>> -> memref<104xi32, #tpu.memory_space<vmem>>
    %dma_wait3A_193 = arith.constant 0 : i32
    %dma_wait3A_194 = arith.constant 0 : i32
    %dma_wait3A_195 = tpu.memref_slice %arg3[%dma_wait3A_193, %dma_wait3A_194] : memref<100000x128xf32, #tpu.memory_space<hbm>> -> memref<100000x128xf32, #tpu.memory_space<hbm>>
    tpu.wait_indirect_dma semaphore(%arg18 : memref<!tpu.dma_semaphore, #tpu.memory_space<semaphore_mem>>) src(%dma_wait3A_195 : memref<100000x128xf32, #tpu.memory_space<hbm>>) dst(%dma_wait3A_189 : memref<104x128xf32, #tpu.memory_space<vmem>>)
    %add3A_196 = arith.constant 30 : i32
    %add3A_197 = arith.addi %mul3A_2, %add3A_196 : i32
    %dma_start3A_198 = arith.constant 0 : i32
    %dma_start3A_199 = arith.constant 0 : i32
    %dma_start3A_200 = tpu.memref_slice %arg10[%dma_start3A_198, %dma_start3A_199] : memref<208x128xf32, #tpu.memory_space<vmem>> -> memref<200x128xf32, #tpu.memory_space<vmem>>
    %dma_start3A_201 = arith.constant 0 : i32
    %dma_start3A_202 = arith.constant 0 : i32
    %dma_start3A_203 = tpu.memref_slice %arg5[%add3A_197, %dma_start3A_201, %dma_start3A_202] : memref<1024x200x128xf32, #tpu.memory_space<hbm>> -> memref<1x200x128xf32, #tpu.memory_space<hbm>>
    %dma_start3A_204 = tpu.memref_squeeze %dma_start3A_203 : memref<1x200x128xf32, #tpu.memory_space<hbm>> -> memref<200x128xf32, #tpu.memory_space<hbm>>
    %dma_start3A_205 = arith.constant 0 : i32
    %dma_start3A_206 = arith.constant 0 : i32
    %dma_start3A_207 = tpu.memref_slice %arg5[%add3A_197, %dma_start3A_205, %dma_start3A_206] : memref<1024x200x128xf32, #tpu.memory_space<hbm>> -> memref<1x200x128xf32, #tpu.memory_space<hbm>>
    %dma_start3A_208 = tpu.memref_squeeze %dma_start3A_207 : memref<1x200x128xf32, #tpu.memory_space<hbm>> -> memref<200x128xf32, #tpu.memory_space<hbm>>
    %dma_start3A_209 = arith.constant 0 : i32
    %dma_start3A_210 = arith.constant 0 : i32
    %dma_start3A_211 = tpu.memref_slice %arg10[%dma_start3A_209, %dma_start3A_210] : memref<208x128xf32, #tpu.memory_space<vmem>> -> memref<200x128xf32, #tpu.memory_space<vmem>>
    tpu.enqueue_dma source(%dma_start3A_211 : memref<200x128xf32, #tpu.memory_space<vmem>>) target(%dma_start3A_208 : memref<200x128xf32, #tpu.memory_space<hbm>>) target_semaphore(%arg22 : memref<!tpu.dma_semaphore, #tpu.memory_space<semaphore_mem>>)
    %dma_wait3A_212 = arith.constant 31 : i32
    %dma_wait3A_213 = arith.constant 0 : i32
    %dma_wait3A_214 = arith.constant 0 : i32
    %dma_wait3A_215 = arith.constant 0 : i32
    %dma_wait3A_216 = tpu.memref_slice %arg11[%dma_wait3A_214, %dma_wait3A_215] : memref<208x128xf32, #tpu.memory_space<vmem>> -> memref<104x128xf32, #tpu.memory_space<vmem>>
    %dma_wait3A_217 = arith.constant 0 : i32
    %dma_wait3A_218 = tpu.memref_slice %arg6[%dma_wait3A_212, %dma_wait3A_213, %dma_wait3A_217] : memref<32x2x104xi32, #tpu.memory_space<vmem>> -> memref<1x1x104xi32, #tpu.memory_space<vmem>>
    %dma_wait3A_219 = tpu.memref_squeeze %dma_wait3A_218 : memref<1x1x104xi32, #tpu.memory_space<vmem>> -> memref<104xi32, #tpu.memory_space<vmem>>
    %dma_wait3A_220 = arith.constant 0 : i32
    %dma_wait3A_221 = arith.constant 0 : i32
    %dma_wait3A_222 = tpu.memref_slice %arg3[%dma_wait3A_220, %dma_wait3A_221] : memref<100000x128xf32, #tpu.memory_space<hbm>> -> memref<100000x128xf32, #tpu.memory_space<hbm>>
    tpu.wait_indirect_dma semaphore(%arg19 : memref<!tpu.dma_semaphore, #tpu.memory_space<semaphore_mem>>) src(%dma_wait3A_222 : memref<100000x128xf32, #tpu.memory_space<hbm>>) dst(%dma_wait3A_216 : memref<104x128xf32, #tpu.memory_space<vmem>>)
    %dma_wait3A_223 = arith.constant 31 : i32
    %dma_wait3A_224 = arith.constant 1 : i32
    %dma_wait3A_225 = arith.constant 104 : i32
    %dma_wait3A_226 = arith.constant 0 : i32
    %dma_wait3A_227 = tpu.memref_slice %arg11[%dma_wait3A_225, %dma_wait3A_226] : memref<208x128xf32, #tpu.memory_space<vmem>> -> memref<104x128xf32, #tpu.memory_space<vmem>>
    %dma_wait3A_228 = arith.constant 0 : i32
    %dma_wait3A_229 = tpu.memref_slice %arg6[%dma_wait3A_223, %dma_wait3A_224, %dma_wait3A_228] : memref<32x2x104xi32, #tpu.memory_space<vmem>> -> memref<1x1x104xi32, #tpu.memory_space<vmem>>
    %dma_wait3A_230 = tpu.memref_squeeze %dma_wait3A_229 : memref<1x1x104xi32, #tpu.memory_space<vmem>> -> memref<104xi32, #tpu.memory_space<vmem>>
    %dma_wait3A_231 = arith.constant 0 : i32
    %dma_wait3A_232 = arith.constant 0 : i32
    %dma_wait3A_233 = tpu.memref_slice %arg3[%dma_wait3A_231, %dma_wait3A_232] : memref<100000x128xf32, #tpu.memory_space<hbm>> -> memref<100000x128xf32, #tpu.memory_space<hbm>>
    tpu.wait_indirect_dma semaphore(%arg19 : memref<!tpu.dma_semaphore, #tpu.memory_space<semaphore_mem>>) src(%dma_wait3A_233 : memref<100000x128xf32, #tpu.memory_space<hbm>>) dst(%dma_wait3A_227 : memref<104x128xf32, #tpu.memory_space<vmem>>)
    %add3A_234 = arith.constant 31 : i32
    %add3A_235 = arith.addi %mul3A_2, %add3A_234 : i32
    %dma_start3A_236 = arith.constant 0 : i32
    %dma_start3A_237 = arith.constant 0 : i32
    %dma_start3A_238 = tpu.memref_slice %arg11[%dma_start3A_236, %dma_start3A_237] : memref<208x128xf32, #tpu.memory_space<vmem>> -> memref<200x128xf32, #tpu.memory_space<vmem>>
    %dma_start3A_239 = arith.constant 0 : i32
    %dma_start3A_240 = arith.constant 0 : i32
    %dma_start3A_241 = tpu.memref_slice %arg5[%add3A_235, %dma_start3A_239, %dma_start3A_240] : memref<1024x200x128xf32, #tpu.memory_space<hbm>> -> memref<1x200x128xf32, #tpu.memory_space<hbm>>
    %dma_start3A_242 = tpu.memref_squeeze %dma_start3A_241 : memref<1x200x128xf32, #tpu.memory_space<hbm>> -> memref<200x128xf32, #tpu.memory_space<hbm>>
    %dma_start3A_243 = arith.constant 0 : i32
    %dma_start3A_244 = arith.constant 0 : i32
    %dma_start3A_245 = tpu.memref_slice %arg5[%add3A_235, %dma_start3A_243, %dma_start3A_244] : memref<1024x200x128xf32, #tpu.memory_space<hbm>> -> memref<1x200x128xf32, #tpu.memory_space<hbm>>
    %dma_start3A_246 = tpu.memref_squeeze %dma_start3A_245 : memref<1x200x128xf32, #tpu.memory_space<hbm>> -> memref<200x128xf32, #tpu.memory_space<hbm>>
    %dma_start3A_247 = arith.constant 0 : i32
    %dma_start3A_248 = arith.constant 0 : i32
    %dma_start3A_249 = tpu.memref_slice %arg11[%dma_start3A_247, %dma_start3A_248] : memref<208x128xf32, #tpu.memory_space<vmem>> -> memref<200x128xf32, #tpu.memory_space<vmem>>
    tpu.enqueue_dma source(%dma_start3A_249 : memref<200x128xf32, #tpu.memory_space<vmem>>) target(%dma_start3A_246 : memref<200x128xf32, #tpu.memory_space<hbm>>) target_semaphore(%arg23 : memref<!tpu.dma_semaphore, #tpu.memory_space<semaphore_mem>>)
    %add3A_250 = arith.constant 28 : i32
    %add3A_251 = arith.addi %mul3A_2, %add3A_250 : i32
    %dma_wait3A_252 = arith.constant 0 : i32
    %dma_wait3A_253 = arith.constant 0 : i32
    %dma_wait3A_254 = tpu.memref_slice %arg8[%dma_wait3A_252, %dma_wait3A_253] : memref<208x128xf32, #tpu.memory_space<vmem>> -> memref<200x128xf32, #tpu.memory_space<vmem>>
    %dma_wait3A_255 = arith.constant 0 : i32
    %dma_wait3A_256 = arith.constant 0 : i32
    %dma_wait3A_257 = tpu.memref_slice %arg5[%add3A_251, %dma_wait3A_255, %dma_wait3A_256] : memref<1024x200x128xf32, #tpu.memory_space<hbm>> -> memref<1x200x128xf32, #tpu.memory_space<hbm>>
    %dma_wait3A_258 = tpu.memref_squeeze %dma_wait3A_257 : memref<1x200x128xf32, #tpu.memory_space<hbm>> -> memref<200x128xf32, #tpu.memory_space<hbm>>
    %dma_wait3A_259 = arith.constant 0 : i32
    %dma_wait3A_260 = arith.constant 0 : i32
    %dma_wait3A_261 = tpu.memref_slice %arg5[%add3A_251, %dma_wait3A_259, %dma_wait3A_260] : memref<1024x200x128xf32, #tpu.memory_space<hbm>> -> memref<1x200x128xf32, #tpu.memory_space<hbm>>
    %dma_wait3A_262 = tpu.memref_squeeze %dma_wait3A_261 : memref<1x200x128xf32, #tpu.memory_space<hbm>> -> memref<200x128xf32, #tpu.memory_space<hbm>>
    %dma_wait3A_263 = arith.constant 0 : i32
    %dma_wait3A_264 = arith.constant 0 : i32
    %dma_wait3A_265 = tpu.memref_slice %arg8[%dma_wait3A_263, %dma_wait3A_264] : memref<208x128xf32, #tpu.memory_space<vmem>> -> memref<200x128xf32, #tpu.memory_space<vmem>>
    tpu.wait_dma2 semaphore(%arg20 : memref<!tpu.dma_semaphore, #tpu.memory_space<semaphore_mem>>) src(%dma_wait3A_265 : memref<200x128xf32, #tpu.memory_space<vmem>>) dst(%dma_wait3A_262 : memref<200x128xf32, #tpu.memory_space<hbm>>)
    %add3A_266 = arith.constant 29 : i32
    %add3A_267 = arith.addi %mul3A_2, %add3A_266 : i32
    %dma_wait3A_268 = arith.constant 0 : i32
    %dma_wait3A_269 = arith.constant 0 : i32
    %dma_wait3A_270 = tpu.memref_slice %arg9[%dma_wait3A_268, %dma_wait3A_269] : memref<208x128xf32, #tpu.memory_space<vmem>> -> memref<200x128xf32, #tpu.memory_space<vmem>>
    %dma_wait3A_271 = arith.constant 0 : i32
    %dma_wait3A_272 = arith.constant 0 : i32
    %dma_wait3A_273 = tpu.memref_slice %arg5[%add3A_267, %dma_wait3A_271, %dma_wait3A_272] : memref<1024x200x128xf32, #tpu.memory_space<hbm>> -> memref<1x200x128xf32, #tpu.memory_space<hbm>>
    %dma_wait3A_274 = tpu.memref_squeeze %dma_wait3A_273 : memref<1x200x128xf32, #tpu.memory_space<hbm>> -> memref<200x128xf32, #tpu.memory_space<hbm>>
    %dma_wait3A_275 = arith.constant 0 : i32
    %dma_wait3A_276 = arith.constant 0 : i32
    %dma_wait3A_277 = tpu.memref_slice %arg5[%add3A_267, %dma_wait3A_275, %dma_wait3A_276] : memref<1024x200x128xf32, #tpu.memory_space<hbm>> -> memref<1x200x128xf32, #tpu.memory_space<hbm>>
    %dma_wait3A_278 = tpu.memref_squeeze %dma_wait3A_277 : memref<1x200x128xf32, #tpu.memory_space<hbm>> -> memref<200x128xf32, #tpu.memory_space<hbm>>
    %dma_wait3A_279 = arith.constant 0 : i32
    %dma_wait3A_280 = arith.constant 0 : i32
    %dma_wait3A_281 = tpu.memref_slice %arg9[%dma_wait3A_279, %dma_wait3A_280] : memref<208x128xf32, #tpu.memory_space<vmem>> -> memref<200x128xf32, #tpu.memory_space<vmem>>
    tpu.wait_dma2 semaphore(%arg21 : memref<!tpu.dma_semaphore, #tpu.memory_space<semaphore_mem>>) src(%dma_wait3A_281 : memref<200x128xf32, #tpu.memory_space<vmem>>) dst(%dma_wait3A_278 : memref<200x128xf32, #tpu.memory_space<hbm>>)
    %add3A_282 = arith.constant 30 : i32
    %add3A_283 = arith.addi %mul3A_2, %add3A_282 : i32
    %dma_wait3A_284 = arith.constant 0 : i32
    %dma_wait3A_285 = arith.constant 0 : i32
    %dma_wait3A_286 = tpu.memref_slice %arg10[%dma_wait3A_284, %dma_wait3A_285] : memref<208x128xf32, #tpu.memory_space<vmem>> -> memref<200x128xf32, #tpu.memory_space<vmem>>
    %dma_wait3A_287 = arith.constant 0 : i32
    %dma_wait3A_288 = arith.constant 0 : i32
    %dma_wait3A_289 = tpu.memref_slice %arg5[%add3A_283, %dma_wait3A_287, %dma_wait3A_288] : memref<1024x200x128xf32, #tpu.memory_space<hbm>> -> memref<1x200x128xf32, #tpu.memory_space<hbm>>
    %dma_wait3A_290 = tpu.memref_squeeze %dma_wait3A_289 : memref<1x200x128xf32, #tpu.memory_space<hbm>> -> memref<200x128xf32, #tpu.memory_space<hbm>>
    %dma_wait3A_291 = arith.constant 0 : i32
    %dma_wait3A_292 = arith.constant 0 : i32
    %dma_wait3A_293 = tpu.memref_slice %arg5[%add3A_283, %dma_wait3A_291, %dma_wait3A_292] : memref<1024x200x128xf32, #tpu.memory_space<hbm>> -> memref<1x200x128xf32, #tpu.memory_space<hbm>>
    %dma_wait3A_294 = tpu.memref_squeeze %dma_wait3A_293 : memref<1x200x128xf32, #tpu.memory_space<hbm>> -> memref<200x128xf32, #tpu.memory_space<hbm>>
    %dma_wait3A_295 = arith.constant 0 : i32
    %dma_wait3A_296 = arith.constant 0 : i32
    %dma_wait3A_297 = tpu.memref_slice %arg10[%dma_wait3A_295, %dma_wait3A_296] : memref<208x128xf32, #tpu.memory_space<vmem>> -> memref<200x128xf32, #tpu.memory_space<vmem>>
    tpu.wait_dma2 semaphore(%arg22 : memref<!tpu.dma_semaphore, #tpu.memory_space<semaphore_mem>>) src(%dma_wait3A_297 : memref<200x128xf32, #tpu.memory_space<vmem>>) dst(%dma_wait3A_294 : memref<200x128xf32, #tpu.memory_space<hbm>>)
    %add3A_298 = arith.constant 31 : i32
    %add3A_299 = arith.addi %mul3A_2, %add3A_298 : i32
    %dma_wait3A_300 = arith.constant 0 : i32
    %dma_wait3A_301 = arith.constant 0 : i32
    %dma_wait3A_302 = tpu.memref_slice %arg11[%dma_wait3A_300, %dma_wait3A_301] : memref<208x128xf32, #tpu.memory_space<vmem>> -> memref<200x128xf32, #tpu.memory_space<vmem>>
    %dma_wait3A_303 = arith.constant 0 : i32
    %dma_wait3A_304 = arith.constant 0 : i32
    %dma_wait3A_305 = tpu.memref_slice %arg5[%add3A_299, %dma_wait3A_303, %dma_wait3A_304] : memref<1024x200x128xf32, #tpu.memory_space<hbm>> -> memref<1x200x128xf32, #tpu.memory_space<hbm>>
    %dma_wait3A_306 = tpu.memref_squeeze %dma_wait3A_305 : memref<1x200x128xf32, #tpu.memory_space<hbm>> -> memref<200x128xf32, #tpu.memory_space<hbm>>
    %dma_wait3A_307 = arith.constant 0 : i32
    %dma_wait3A_308 = arith.constant 0 : i32
    %dma_wait3A_309 = tpu.memref_slice %arg5[%add3A_299, %dma_wait3A_307, %dma_wait3A_308] : memref<1024x200x128xf32, #tpu.memory_space<hbm>> -> memref<1x200x128xf32, #tpu.memory_space<hbm>>
    %dma_wait3A_310 = tpu.memref_squeeze %dma_wait3A_309 : memref<1x200x128xf32, #tpu.memory_space<hbm>> -> memref<200x128xf32, #tpu.memory_space<hbm>>
    %dma_wait3A_311 = arith.constant 0 : i32
    %dma_wait3A_312 = arith.constant 0 : i32
    %dma_wait3A_313 = tpu.memref_slice %arg11[%dma_wait3A_311, %dma_wait3A_312] : memref<208x128xf32, #tpu.memory_space<vmem>> -> memref<200x128xf32, #tpu.memory_space<vmem>>
    tpu.wait_dma2 semaphore(%arg23 : memref<!tpu.dma_semaphore, #tpu.memory_space<semaphore_mem>>) src(%dma_wait3A_313 : memref<200x128xf32, #tpu.memory_space<vmem>>) dst(%dma_wait3A_310 : memref<200x128xf32, #tpu.memory_space<hbm>>)
    return
  }
}

</mosaic_0001>

<sc_bundles>
// kernel: kernel.3.cloned.1.call-start
scs
__scs_entry_jumppad:
0x0: {  	(pc) =	sbr.rel $0x88, $3  }
0x1: {  	(tag) =	ssettag $0x0;
	lr =	simm.s32 $0x1  }
0x2: {  	[smem:$0x3F9E] =	sst lr;
	_ =	strace $0xD0000000  }
0x3: {  	_ = 	snop  }
0x4: {  	_ = 	snop  }
0x5: {  	_ = 	snop  }
0x6: {  	_ = 	snop  }
0x7: {  	_ = 	snop  }
__scs_overlays_trampoline_lowered:
0x8: {  	[smem:$0x3FAD] =	sst s0  }
0x9: {  	[smem:$0x3FAE] =	sst s1  }
0xa: {  	[smem:$0x3FAF] =	sst s2  }
0xb: {  	[smem:$0x3FB0] =	sst s3  }
0xc: {  	[smem:$0x3FB1] =	sst s4  }
0xd: {  	[smem:$0x3FB2] =	sst s5  }
0xe: {  	[smem:$0x3FB3] =	sst s6  }
0xf: {  	[smem:$0x3FB4] =	sst s7  }
0x10: {  	[smem:$0x3FB5] =	sst s8  }
0x11: {  	[smem:$0x3FB6] =	sst s9;
	s0 =	simm.s32 @!p0 $0x0  }
0x12: {  	s1 =	sld [smem:$0x3F9C];
	s0 =	simm.s32 @p0 $0x1  }
0x13: {  	[smem:$0x3FB7] =	sst s0;
	s0 =	simm.s32 @!p1 $0x0  }
0x14: {  	s2 =	sld [smem:$0x3F9B];
	s0 =	simm.s32 @p1 $0x1  }
0x15: {  	[smem:$0x3FB8] =	sst s0;
	s0 =	simm.s32 @!p2 $0x0  }
0x16: {  	s3 =	sld [smem:$0x3FDB];
	s0 =	simm.s32 @p2 $0x1  }
0x17: {  	s4 =	simm.s32 $0x1BF5;
	[smem:$0x3FBA] =	sst s0  }
0x18: {  	s0 =	sld [smem:$0x3F9D];
	_ =	swait.ge [sflag:s4], $0x0  }
0x19: {  	s7 =	sld [smem:$0x3F9E]  }
0x1a: {  	s8 =	sadd.s32 $0xFFFFE003, lr  }
0x1b: {  	s9 =	sadd.s32 $0xFFFFFEF7, lr;
	s5 =	simm.s32 $0xFFFFFFFF;
	p2 =	slt.u32 s8, $0xFFFFF086  }
0x1c: {  	p1 =	slt.u32 s9, $0xF7A;
	s5 =	simm.s32 @!p2 $0x0  }
0x1d: {  	s5 =	simm.s32 @p1 $0x1;
	p0 =	seq.s32 s7, s2  }
0x1e: {  	s7 =	smul.u32 @!p0 $0xF7A, s2;
	p2 =	seq.s32 @!p0 s5, $0x0  }
0x1f: {  	s9 =	smul.u32 $0xF7A, s1;
	s8 =	simm.s32 @!p0 $0x1BF5;
	p2 =	por !p2, p0  }
0x20: {  	[sflag:s8] =	ssyncset.s32 @!p0 $0xFFFFF086;
	s6 =	sadd.s32 @!p0 s3, s7;
	s7 =	simm.s32 @!p0 $0x108  }
0x21: {  	s3 =	sadd.s32 s3, s9;
	s6 =	sadd.s32 @!p0 $0x88, s6;
	s7 =	simm.s32 @p2 $0x1082  }
0x22: {  	[simem:s7], [sflag:s8] =	dma.local @!p0 [hbm:s6], $0xF7A  }
0x23: {  	s9 =	sor.u32 $0xD0000000, s2;
	s6 =	simm.s32 $0x108;
	_ =	swait.ge @!p0 [sflag:s8], $0x0  }
0x24: {  	s3 =	sadd.s32 $0x88, s3;
	s6 =	simm.s32 @!p1 $0x1082;
	[sflag:s4] =	ssyncset.s32 $0xFFFFF086  }
0x25: {  	[simem:s6], [sflag:s4] =	dma.local [hbm:s3], $0xF7A  }
0x26: {  	[smem:$0x3F9E] =	sst s1;
	(tag) =	ssettag s2;
	_ =	strace s9  }
0x27: {  	s1 =	sld [smem:$0x3FAE]  }
0x28: {  	s2 =	sld [smem:$0x3FAF]  }
0x29: {  	s4 =	sld [smem:$0x3FB1]  }
0x2a: {  	p0 =	seq.s32 s5, $0x0;
	s5 =	sld [smem:$0x3FB2]  }
0x2b: {  	s6 =	sld [smem:$0x3FB3]  }
0x2c: {  	s7 =	sld [smem:$0x3FB4]  }
0x2d: {  	s3 =	simm.s32 $0x108;
	s8 =	sld [smem:$0x3FB5]  }
0x2e: {  	s3 =	simm.s32 @!p0 $0x1082;
	s9 =	sld [smem:$0x3FB6]  }
0x2f: {  	lr =	sadd.s32 s0, s3;
	s0 =	sld [smem:$0x3FAD]  }
0x30: {  	s3 =	sld [smem:$0x3FB0]  }
0x31: {  	[smem:$0x3FB9] =	sst s10  }
0x32: {  	s10 =	sld [smem:$0x3FB7];
	_ =	sdelay $0x3  }
0x33: {  	p0 =	seq.s32 s10, $0x1;
	s10 =	sld [smem:$0x3FB9];
	_ =	sdelay $0x3  }
0x34: {  	[smem:$0x3FB9] =	sst s10  }
0x35: {  	s10 =	sld [smem:$0x3FB8];
	_ =	sdelay $0x3  }
0x36: {  	p1 =	seq.s32 s10, $0x1;
	s10 =	sld [smem:$0x3FB9];
	_ =	sdelay $0x3  }
0x37: {  	[smem:$0x3FB9] =	sst s10  }
0x38: {  	s10 =	sld [smem:$0x3FBA]  }
0x39: {  	_ = 	snop;
	(pc) =	sbr.ind lr, $3  }
0x3a: {  	_ = 	snop  }
0x3b: {  	_ = 	snop  }
0x3c: {  	p2 =	seq.s32 s10, $0x1;
	s10 =	sld [smem:$0x3FB9]  }
0x3d: {  	_ =	shalt  }
0x3e: {  	_ =	shalt  }
0x3f: {  	_ =	shalt  }
0x40: {  	_ =	shalt  }
0x41: {  	_ =	shalt  }
0x42: {  	_ =	shalt  }
0x43: {  	_ =	shalt  }
0x44: {  	_ =	shalt  }
0x45: {  	_ =	shalt  }
0x46: {  	_ =	shalt  }
0x47: {  	_ =	shalt  }
0x48: {  	_ =	shalt  }
0x49: {  	_ =	shalt  }
0x4a: {  	_ =	shalt  }
0x4b: {  	_ =	shalt  }
0x4c: {  	_ =	shalt  }
0x4d: {  	_ =	shalt  }
0x4e: {  	_ =	shalt  }
0x4f: {  	_ =	shalt  }
0x50: {  	_ =	shalt  }
0x51: {  	_ =	shalt  }
0x52: {  	_ =	shalt  }
0x53: {  	_ =	shalt  }
0x54: {  	_ =	shalt  }
0x55: {  	_ =	shalt  }
0x56: {  	_ =	shalt  }
0x57: {  	_ =	shalt  }
0x58: {  	_ =	shalt  }
0x59: {  	_ =	shalt  }
0x5a: {  	_ =	shalt  }
0x5b: {  	_ =	shalt  }
0x5c: {  	_ =	shalt  }
0x5d: {  	_ =	shalt  }
0x5e: {  	_ =	shalt  }
0x5f: {  	_ =	shalt  }
0x60: {  	_ =	shalt  }
0x61: {  	_ =	shalt  }
0x62: {  	_ =	shalt  }
0x63: {  	_ =	shalt  }
0x64: {  	_ =	shalt  }
0x65: {  	_ =	shalt  }
0x66: {  	_ =	shalt  }
0x67: {  	_ =	shalt  }
0x68: {  	_ =	shalt  }
0x69: {  	_ =	shalt  }
0x6a: {  	_ =	shalt  }
0x6b: {  	_ =	shalt  }
0x6c: {  	_ =	shalt  }
0x6d: {  	_ =	shalt  }
0x6e: {  	_ =	shalt  }
0x6f: {  	_ =	shalt  }
0x70: {  	_ =	shalt  }
0x71: {  	_ =	shalt  }
0x72: {  	_ =	shalt  }
0x73: {  	_ =	shalt  }
0x74: {  	_ =	shalt  }
0x75: {  	_ =	shalt  }
0x76: {  	_ =	shalt  }
0x77: {  	_ =	shalt  }
0x78: {  	_ =	shalt  }
0x79: {  	_ =	shalt  }
0x7a: {  	_ =	shalt  }
0x7b: {  	_ =	shalt  }
0x7c: {  	_ =	shalt  }
0x7d: {  	_ =	shalt  }
0x7e: {  	_ =	shalt  }
0x7f: {  	_ =	shalt  }
0x80: {  	_ =	shalt  }
0x81: {  	_ =	shalt  }
0x82: {  	_ =	shalt  }
0x83: {  	_ =	shalt  }
0x84: {  	_ =	shalt  }
0x85: {  	_ =	shalt  }
0x86: {  	_ =	shalt  }
0x87: {  	_ =	shalt  }
.Lfunc_end0:
.L_simem_size_0:
called_computation_lowered:
.L_overlay_start_0:
0x88: {  	s2 =	sld [smem:$0x3FD9]  }
0x89: {  	s3 =	sld [smem:$0x3FFE];
	_ =	sdelay $0x1  }
0x8a: {  	s1 =	srdreg.scid  }
0x8b: {  	s0 =	sand.u32 $0x1, s1  }
0x8c: {  	s17 =	sshll.u32 s0, $0xA;
	s2 =	sadd.s32 s3, s2  }
0x8d: {  	s2 =	sadd.s32 s2, s17  }
0x8e: {  	[smem:$0x3FC5] =	sst s2  }
0x8f: {  	_ = 	snop  }
0x90: {  	s2 =	sld [smem:$0x3FC8]  }
0x91: {  	s18 =	sld [smem:$0x3FD0];
	(tm) =	ssettm $0x1  }
0x92: {  	s4 =	sld [smem:$0x3FFB];
	_ =	sdelay $0x3  }
0x93: {  	_ =	strace s4  }
0x94: {  	s4 =	sld [smem:$0x3FFC];
	_ =	sdelay $0x3  }
0x95: {  	_ =	strace s4  }
0x96: {  	s4 =	sld [smem:$0x3FFD];
	_ =	sdelay $0x3  }
0x97: {  	_ =	strace s4  }
0x98: {  	_ =	strace $0x8FFFFFFF  }
0x99: {  	s19 =	sld [smem:$0x3FDB];
	_ =	sdelay $0x1  }
0x9a: {  	s5 =	simm.s32 $_scs_section_size  }
0x9b: {  	s6 =	simm.s32 $_size__tile_overlayer_lowered;
	s7 =	simm.s32 $_tile_overlayer_lowered  }
0x9c: {  	s22 =	simm.s32 $0x1BFF;
	s21 =	sshll.u32 s7, $0x1;
	s4 =	sadd.s32 s5, s19  }
0x9d: {  	s8 =	simm.s32 $0x0;
	s20 =	sshll.u32 s6, $0x1;
	s6 =	sadd.s32 s21, s4  }
0x9e: {  	[timem:s8], [sflag:s22] =	dma.local [hbm:s6], s20  }
0x9f: {  	_ =	swait.ge [sflag:s22], s20  }
0xa0: {  	s5 =	ssub.s32 $0x0, s20;
	[sflag:s22] =	ssyncset.done $0x0  }
0xa1: {  	[sflag:s22] =	ssyncadd.s32 s5;
	_ =	sdelay $0x1  }
0xa2: {  	s23 =	simm.s32 $0x1B8B  }
0xa3: {  	_ =	swait.ge [sflag:s23], $0x1  }
0xa4: {  	[sflag:s23] =	ssyncset.done $0x0  }
0xa5: {  	s25 =	simm.s32 $0x1B8E;
	s24 =	sld [smem:$0x3FFE];
	[sflag:s23] =	ssyncadd.s32 $0xFFFFFFFF  }
0xa6: {  	s26 =	simm.s32 $execute0_lowered;
	[smem:$0x3FD2] =	sst s25  }
0xa7: {  	s6 =	sshll.u32 s26, $0x1;
	_ =	strace $0x80000046;
	[dreg:$0x1] =	wrdreg $0xFFFFFFFF  }
0xa8: {  	s28 =	simm.s32 $_size_execute0_lowered;
	s4 =	sadd.s32 s4, s6;
	[dreg:$0x0] =	wrdreg $0x0  }
0xa9: {  	s6 =	sshll.u32 s28, $0x1;
	[dreg:$0x2] =	wrdreg s4  }
0xaa: {  	[dreg:$0x3] =	wrdreg s6  }
0xab: {  	[dreg:$0x4] =	wrdreg $0xC0  }
0xac: {  	_ =	task [dreg:s8], $0x5FFFF  }
0xad: {  	[dreg:$0x1] =	wrdreg $0xFFFFFFFF  }
0xae: {  	[dreg:$0x0] =	wrdreg $0x60  }
0xaf: {  	[dreg:$0x2] =	wrdreg s24  }
0xb0: {  	[dreg:$0x3] =	wrdreg s2  }
0xb1: {  	[dreg:$0x4] =	wrdreg s18  }
0xb2: {  	[dreg:$0x5] =	wrdreg $0x20000  }
0xb3: {  	[dreg:$0x6] =	wrdreg $0x9  }
0xb4: {  	_ =	task.clear_ibuf [dreg:s8], $0x7FFFF;
	_ =	strace $0x90000046  }
0xb5: {  	s29 =	simm.s32 $0x9;
	_ =	strace $0x80000048  }
0xb6: {  	_ =	swait.ge [sflag:s29], $0x1  }
0xb7: {  	[sflag:s29] =	ssyncadd.s32 $0xFFFFFFFF  }
0xb8: {  	_ =	strace $0x90000048  }
0xb9: {  	_ =	sfence  }
0xba: {  	s30 =	sld [smem:$0x0];
	_ =	sdelay $0x2  }
0xbb: {  	s31 =	sshll.u32 s1, $0xD;
	s1 =	sshrl.u32 s1, $0x2  }
0xbc: {  	s3 =	sand.u32 $0x4000, s31;
	s1 =	sadd.s32 s1, s30  }
0xbd: {  	s0 =	sor.u32 s3, s0;
	s1 =	sshll.u32 s1, $0x11  }
0xbe: {  	s0 =	sor.u32 s1, s0  }
0xbf: {  	s0 =	sadd.s32 $0x8F2B, s0  }
0xc0: {  	[sflag:s0] =	ssyncadd.remote.s32 $0x1  }
0xc1: {  	_ =	sfence.sel $0xFFFF  }
0xc2: {  	[dreg:$0x0] =	wrdreg $0xFFFFFFFF;
	(pc) =	sbr.abs _section_cstart, $3  }
0xc3: {  	[dreg:$0x1] =	wrdreg $0xFFFFFFFF  }
0xc4: {  	_ =	task.clear_ibuf [dreg:s8], $0x2FFFF;
	_ =	strace $0x9FFFFFFF  }
0xc5: {  	(tm) =	ssettm $0x7FFFFFFF  }
tec
execute0_lowered:
.L_overlay_start_1:
0x0: {  	(tag) =	ssettag $0x1  }
0x1: {  	s0 =	rddreg [dreg:$0x0]  }
0x2: {  	s1 =	rddreg [dreg:$0x1]  }
0x3: {  	s4 =	rddreg [dreg:$0x2]  }
0x4: {  	s2 =	rddreg [dreg:$0x3]  }
0x5: {  	s3 =	srdreg.scid;
	s5 =	stileid.u32  }
0x6: {  	s14 =	simm.s32 $0x2680;
	s15 =	simm.s32 $0x8E80;
	s16 =	simm.s32 $0x1  }
0x7: {  	s17 =	simm.s32 $0x68;
	s28 =	simm.s32 $0x3;
	s31 =	simm.s32 $0x12A80  }
0x8: {  	s18 =	simm.s32 $0x9;
	s29 =	simm.s32 $0x7;
	s30 =	simm.s32 $0xA  }
0x9: {  	s6 =	sand.u32 $0x1, s3;
	s3 =	simm.s32 $0x0;
	s7 =	sshll.u32 s5, $0x6  }
0xa: {  	s21 =	smul.u32 $0x32000, s5;
	p0 =	sne.s32 s5, $0x0;
	s5 =	simm.s32 $0xB  }
0xb: {  	s8 =	sshll.u32 s6, $0x5;
	[smem:$0x7FF] =	sst s3;
	s9 =	ssub.s32 $0x2, s6  }
0xc: {  	s6 =	smul.u32 $0x19000, s6;
	s7 =	sor.u32 s8, s7;
	_ =	strace $0x80000047  }
0xd: {  	s10 =	sshrl.u32 s9, $0x1;
	s8 =	sshll.u32 s7, $0x5;
	s11 =	smul.u32 $0x6400, s7  }
0xe: {  	s7 =	smul.u32 $0xC80, s7;
	s8 =	sadd.s32 s8, s0;
	s0 =	sadd.s32 $0x400, s0  }
0xf: {  	s19 =	ssub.s32 s9, s10;
	[dreg:$0x5] =	wrdreg s0;
	s8 =	sadd.s32 $0x1200, s8  }
0x10: {  	s20 =	sshrl.u32 s11, $0x3;
	s22 =	sadd.s32 s4, s7;
	s0 =	smax.u32 s19, $0x1  }
0x11: {  	s19 =	simm.s32 $0x5A80;
	[dreg:$0x6] =	wrdreg s8;
	s23 =	sadd.s32 s4, s20  }
0x12: {  	[dreg:$0x7] =	wrdreg s22;
	s24 =	sadd.s32 $0xC80, s22;
	s4 =	sadd.s32 s21, s4  }
0x13: {  	[dreg:$0xb] =	wrdreg s0;
	s0 =	sshrl.u32 @!p0 s2, $0x3;
	s20 =	simm.s32 $0xF680  }
0x14: {  	s21 =	simm.s32 $0x2;
	s22 =	simm.s32 $0x4;
	s8 =	simm.s32 $0x0  }
0x15: {  	[dreg:$0x8] =	wrdreg s24;
	s25 =	sadd.s32 $0x17700, s23;
	s7 =	sadd.s32 $0x18380, s23  }
0x16: {  	s26 =	sadd.s32 s6, s4;
	[dreg:$0xc] =	wrdreg s0;
	s24 =	simm.s32 $0xC280  }
0x17: {  	s0 =	simm.s32 $0x6;
	s23 =	simm.s32 $0x19280;
	[dreg:$0x9] =	wrdreg s25  }
0x18: {  	s4 =	simm.s32 $0x8;
	[dreg:$0xa] =	wrdreg s7;
	s6 =	sadd.s32 $0x3E80, s26  }
0x19: {  	s25 =	simm.s32 $0x5;
	s26 =	simm.s32 $0x15E80;
	s7 =	simm.s32 $0xC  }
.LBB2_1:
0x1a: {  	s9 =	rddreg [dreg:$0x6];
	s11 =	simm.s32 $0xD  }
0x1b: {  	[tilespmem:s3], [sflag:$0xD] =	stream.linear.gather [hbm4b:s9+s3], $0x2000, $0x38;
	[tilespmem:$0x1C680] =	vst v63  }
0x1c: {  	_ =	swait.ge [sflag:s11], $0x2000  }
0x1d: {  	[sflag:s11] =	ssyncset.done $0x0;
	s10 =	rddreg [dreg:$0x5]  }
0x1e: {  	s9 =	simm.s32 @!p0 $0x1C0D;
	[sflag:s11] =	ssyncadd.s32 $0xFFFFE000;
	s11 =	rddreg [dreg:$0xc]  }
0x1f: {  	[spmem:s11], [sflag:s9] =	dma.local @!p0 [hbm:s10], $0xD00  }
0x20: {  	s9 =	simm.s32 @!p0 $0xD  }
0x21: {  	_ =	swait.ge @!p0 [sflag:s9], $0xD00  }
0x22: {  	[sflag:s9] =	ssyncset.done @!p0 $0x0  }
0x23: {  	[sflag:s9] =	ssyncadd.s32 @!p0 $0xFFFFF300  }
0x24: {  	[bflag:$0x0] =	sbarrier.arrive $0xFFFF  }
0x25: {  	[tilespmem:s14], [sflag:$0x1] =	stream.linear.gather [spmem:s2], $0x6800, $0x38;
	[tilespmem:$0x1C680] =	vst v63  }
0x26: {  	_ = 	snop  }
0x27: {  	[tilespmem:s15], [sflag:$0x2] =	stream.linear.gather [spmem:s2], $0x6800, $0x38;
	[tilespmem:$0x1C680] =	vst v63  }
0x28: {  	_ =	swait.ge [sflag:s16], $0x6800  }
0x29: {  	[sflag:s16] =	ssyncset.done $0x0  }
0x2a: {  	[sflag:s16] =	ssyncadd.s32 $0xFFFF9800  }
0x2b: {  	[tilespmem:s14], [sflag:$0x5] =	stream.indirect.gather.add.f32 [hbm:s1], $0x80, s3, s17, $0xb8;
	[tilespmem:$0x1C680] =	vst v63  }
0x2c: {  	s12 =	simm.s32 $0x80  }
0x2d: {  	[tilespmem:s19], [sflag:$0x5] =	stream.indirect.gather.add.f32 [hbm:s1], $0x80, s12, s17, $0xb8;
	[tilespmem:$0x1C680] =	vst v63  }
0x2e: {  	_ = 	snop  }
0x2f: {  	[tilespmem:s20], [sflag:$0x3] =	stream.linear.gather [spmem:s2], $0x6800, $0x38;
	[tilespmem:$0x1C680] =	vst v63  }
0x30: {  	_ =	swait.ge [sflag:s21], $0x6800  }
0x31: {  	[sflag:s21] =	ssyncset.done $0x0  }
0x32: {  	s13 =	simm.s32 $0x100;
	[sflag:s21] =	ssyncadd.s32 $0xFFFF9800  }
0x33: {  	[tilespmem:s15], [sflag:$0x6] =	stream.indirect.gather.add.f32 [hbm:s1], $0x80, s13, s17, $0xb8;
	[tilespmem:$0x1C680] =	vst v63  }
0x34: {  	s10 =	simm.s32 $0x180  }
0x35: {  	[tilespmem:s24], [sflag:$0x6] =	stream.indirect.gather.add.f32 [hbm:s1], $0x80, s10, s17, $0xb8;
	[tilespmem:$0x1C680] =	vst v63  }
0x36: {  	_ =	swait.ge [sflag:s25], $0x3400  }
0x37: {  	[sflag:s25] =	ssyncset.done $0x0  }
0x38: {  	[sflag:s25] =	ssyncadd.s32 $0xFFFFCC00  }
0x39: {  	_ =	swait.ge [sflag:s25], $0x3400  }
0x3a: {  	[sflag:s25] =	ssyncset.done $0x0  }
0x3b: {  	s11 =	rddreg [dreg:$0x7];
	[sflag:s25] =	ssyncadd.s32 $0xFFFFCC00  }
0x3c: {  	[hbm4b:s11+s3] =	stream.linear.scatter [tilespmem:s14], [sflag:$0x9], $0x6400, $0x38;
	[tilespmem:$0x1C680] =	vst v63  }
0x3d: {  	_ = 	snop  }
0x3e: {  	[tilespmem:s26], [sflag:$0x4] =	stream.linear.gather [spmem:s2], $0x6800, $0x38;
	[tilespmem:$0x1C680] =	vst v63  }
0x3f: {  	_ =	swait.ge [sflag:s28], $0x6800  }
0x40: {  	[sflag:s28] =	ssyncset.done $0x0  }
0x41: {  	s12 =	simm.s32 $0x200;
	[sflag:s28] =	ssyncadd.s32 $0xFFFF9800  }
0x42: {  	[tilespmem:s20], [sflag:$0x7] =	stream.indirect.gather.add.f32 [hbm:s1], $0x80, s12, s17, $0xb8;
	[tilespmem:$0x1C680] =	vst v63  }
0x43: {  	s13 =	simm.s32 $0x280  }
0x44: {  	[tilespmem:s31], [sflag:$0x7] =	stream.indirect.gather.add.f32 [hbm:s1], $0x80, s13, s17, $0xb8;
	[tilespmem:$0x1C680] =	vst v63  }
0x45: {  	_ =	swait.ge [sflag:s0], $0x3400  }
0x46: {  	[sflag:s0] =	ssyncset.done $0x0  }
0x47: {  	[sflag:s0] =	ssyncadd.s32 $0xFFFFCC00  }
0x48: {  	_ =	swait.ge [sflag:s0], $0x3400  }
0x49: {  	[sflag:s0] =	ssyncset.done $0x0  }
0x4a: {  	s10 =	rddreg [dreg:$0x8];
	[sflag:s0] =	ssyncadd.s32 $0xFFFFCC00  }
0x4b: {  	[hbm4b:s10+s3] =	stream.linear.scatter [tilespmem:s15], [sflag:$0xA], $0x6400, $0x38;
	[tilespmem:$0x1C680] =	vst v63  }
0x4c: {  	_ =	swait.ge [sflag:s18], $0x6400  }
0x4d: {  	[sflag:s18] =	ssyncset.done $0x0  }
0x4e: {  	[sflag:s18] =	ssyncadd.s32 $0xFFFF9C00  }
0x4f: {  	[tilespmem:s14], [sflag:$0x1] =	stream.linear.gather [spmem:s2], $0x6800, $0x38;
	[tilespmem:$0x1C680] =	vst v63  }
0x50: {  	_ =	swait.ge [sflag:s22], $0x6800  }
0x51: {  	[sflag:s22] =	ssyncset.done $0x0  }
0x52: {  	s11 =	simm.s32 $0x300;
	[sflag:s22] =	ssyncadd.s32 $0xFFFF9800  }
0x53: {  	[tilespmem:s26], [sflag:$0x8] =	stream.indirect.gather.add.f32 [hbm:s1], $0x80, s11, s17, $0xb8;
	[tilespmem:$0x1C680] =	vst v63  }
0x54: {  	s12 =	simm.s32 $0x380  }
0x55: {  	[tilespmem:s23], [sflag:$0x8] =	stream.indirect.gather.add.f32 [hbm:s1], $0x80, s12, s17, $0xb8;
	[tilespmem:$0x1C680] =	vst v63  }
0x56: {  	_ =	swait.ge [sflag:s29], $0x3400  }
0x57: {  	[sflag:s29] =	ssyncset.done $0x0  }
0x58: {  	[sflag:s29] =	ssyncadd.s32 $0xFFFFCC00  }
0x59: {  	_ =	swait.ge [sflag:s29], $0x3400  }
0x5a: {  	[sflag:s29] =	ssyncset.done $0x0  }
0x5b: {  	s13 =	sadd.s32 $0xFFFFDA80, s6;
	[sflag:s29] =	ssyncadd.s32 $0xFFFFCC00  }
0x5c: {  	[hbm4b:s13+s3] =	stream.linear.scatter [tilespmem:s20], [sflag:$0xB], $0x6400, $0x38;
	[tilespmem:$0x1C680] =	vst v63  }
0x5d: {  	_ =	swait.ge [sflag:s30], $0x6400  }
0x5e: {  	[sflag:s30] =	ssyncset.done $0x0  }
0x5f: {  	[sflag:s30] =	ssyncadd.s32 $0xFFFF9C00  }
0x60: {  	[tilespmem:s15], [sflag:$0x2] =	stream.linear.gather [spmem:s2], $0x6800, $0x38;
	[tilespmem:$0x1C680] =	vst v63  }
0x61: {  	_ =	swait.ge [sflag:s16], $0x6800  }
0x62: {  	[sflag:s16] =	ssyncset.done $0x0  }
0x63: {  	s10 =	simm.s32 $0x400;
	[sflag:s16] =	ssyncadd.s32 $0xFFFF9800  }
0x64: {  	[tilespmem:s14], [sflag:$0x5] =	stream.indirect.gather.add.f32 [hbm:s1], $0x80, s10, s17, $0xb8;
	[tilespmem:$0x1C680] =	vst v63  }
0x65: {  	s11 =	simm.s32 $0x480  }
0x66: {  	[tilespmem:s19], [sflag:$0x5] =	stream.indirect.gather.add.f32 [hbm:s1], $0x80, s11, s17, $0xb8;
	[tilespmem:$0x1C680] =	vst v63  }
0x67: {  	_ =	swait.ge [sflag:s4], $0x3400  }
0x68: {  	[sflag:s4] =	ssyncset.done $0x0  }
0x69: {  	[sflag:s4] =	ssyncadd.s32 $0xFFFFCC00  }
0x6a: {  	_ =	swait.ge [sflag:s4], $0x3400  }
0x6b: {  	[sflag:s4] =	ssyncset.done $0x0  }
0x6c: {  	s12 =	sadd.s32 $0xFFFFE700, s6;
	[sflag:s4] =	ssyncadd.s32 $0xFFFFCC00  }
0x6d: {  	[hbm4b:s12+s3] =	stream.linear.scatter [tilespmem:s26], [sflag:$0xC], $0x6400, $0x38;
	[tilespmem:$0x1C680] =	vst v63  }
0x6e: {  	_ =	swait.ge [sflag:s5], $0x6400  }
0x6f: {  	[sflag:s5] =	ssyncset.done $0x0  }
0x70: {  	[sflag:s5] =	ssyncadd.s32 $0xFFFF9C00  }
0x71: {  	[tilespmem:s20], [sflag:$0x3] =	stream.linear.gather [spmem:s2], $0x6800, $0x38;
	[tilespmem:$0x1C680] =	vst v63  }
0x72: {  	_ =	swait.ge [sflag:s21], $0x6800  }
0x73: {  	[sflag:s21] =	ssyncset.done $0x0  }
0x74: {  	s13 =	simm.s32 $0x500;
	[sflag:s21] =	ssyncadd.s32 $0xFFFF9800  }
0x75: {  	[tilespmem:s15], [sflag:$0x6] =	stream.indirect.gather.add.f32 [hbm:s1], $0x80, s13, s17, $0xb8;
	[tilespmem:$0x1C680] =	vst v63  }
0x76: {  	s10 =	simm.s32 $0x580  }
0x77: {  	[tilespmem:s24], [sflag:$0x6] =	stream.indirect.gather.add.f32 [hbm:s1], $0x80, s10, s17, $0xb8;
	[tilespmem:$0x1C680] =	vst v63  }
0x78: {  	_ =	swait.ge [sflag:s25], $0x3400  }
0x79: {  	[sflag:s25] =	ssyncset.done $0x0  }
0x7a: {  	[sflag:s25] =	ssyncadd.s32 $0xFFFFCC00  }
0x7b: {  	_ =	swait.ge [sflag:s25], $0x3400  }
0x7c: {  	[sflag:s25] =	ssyncset.done $0x0  }
0x7d: {  	s11 =	sadd.s32 $0xFFFFF380, s6;
	[sflag:s25] =	ssyncadd.s32 $0xFFFFCC00  }
0x7e: {  	[hbm4b:s11+s3] =	stream.linear.scatter [tilespmem:s14], [sflag:$0x9], $0x6400, $0x38;
	[tilespmem:$0x1C680] =	vst v63  }
0x7f: {  	_ =	swait.ge [sflag:s7], $0x6400  }
0x80: {  	[sflag:s7] =	ssyncset.done $0x0  }
0x81: {  	[sflag:s7] =	ssyncadd.s32 $0xFFFF9C00  }
0x82: {  	[tilespmem:s26], [sflag:$0x4] =	stream.linear.gather [spmem:s2], $0x6800, $0x38;
	[tilespmem:$0x1C680] =	vst v63  }
0x83: {  	_ =	swait.ge [sflag:s28], $0x6800  }
0x84: {  	[sflag:s28] =	ssyncset.done $0x0  }
0x85: {  	s12 =	simm.s32 $0x600;
	[sflag:s28] =	ssyncadd.s32 $0xFFFF9800  }
0x86: {  	[tilespmem:s20], [sflag:$0x7] =	stream.indirect.gather.add.f32 [hbm:s1], $0x80, s12, s17, $0xb8;
	[tilespmem:$0x1C680] =	vst v63  }
0x87: {  	s13 =	simm.s32 $0x680  }
0x88: {  	[tilespmem:s31], [sflag:$0x7] =	stream.indirect.gather.add.f32 [hbm:s1], $0x80, s13, s17, $0xb8;
	[tilespmem:$0x1C680] =	vst v63  }
0x89: {  	_ =	swait.ge [sflag:s0], $0x3400  }
0x8a: {  	[sflag:s0] =	ssyncset.done $0x0  }
0x8b: {  	[sflag:s0] =	ssyncadd.s32 $0xFFFFCC00  }
0x8c: {  	_ =	swait.ge [sflag:s0], $0x3400  }
0x8d: {  	s9 =	simm.s32 $0x1000;
	[sflag:s0] =	ssyncset.done $0x0  }
0x8e: {  	s10 =	sadd.s32 $0x3200, s6;
	s11 =	smov.u32 s6;
	[sflag:s0] =	ssyncadd.s32 $0xFFFFCC00  }
.LBB2_2:
0x8f: {  	[hbm4b:s11+s3] =	stream.linear.scatter [tilespmem:s15], [sflag:$0xA], $0x6400, $0x38;
	[tilespmem:$0x1C680] =	vst v63  }
0x90: {  	s13 =	smov.u32 s9;
	s11 =	smov.u32 s10  }
0x91: {  	p1 =	sne.s32 s9, $0x6000;
	s9 =	sadd.s32 $0x1000, s9;
	_ =	swait.ge [sflag:s18], $0x6400  }
0x92: {  	[sflag:s18] =	ssyncset.done $0x0  }
0x93: {  	[sflag:s18] =	ssyncadd.s32 $0xFFFF9C00  }
0x94: {  	[tilespmem:s14], [sflag:$0x1] =	stream.linear.gather [spmem:s2], $0x6800, $0x38;
	[tilespmem:$0x1C680] =	vst v63  }
0x95: {  	_ =	swait.ge [sflag:s22], $0x6800  }
0x96: {  	s13 =	sshra.s32 s13, $0x2;
	[sflag:s22] =	ssyncset.done $0x0  }
0x97: {  	s12 =	sadd.s32 $0x300, s13;
	[sflag:s22] =	ssyncadd.s32 $0xFFFF9800  }
0x98: {  	[tilespmem:s26], [sflag:$0x8] =	stream.indirect.gather.add.f32 [hbm:s1], $0x80, s12, s17, $0xb8;
	[tilespmem:$0x1C680] =	vst v63  }
0x99: {  	s12 =	sadd.s32 $0x380, s13  }
0x9a: {  	[tilespmem:s23], [sflag:$0x8] =	stream.indirect.gather.add.f32 [hbm:s1], $0x80, s12, s17, $0xb8;
	[tilespmem:$0x1C680] =	vst v63  }
0x9b: {  	_ =	swait.ge [sflag:s29], $0x3400  }
0x9c: {  	[sflag:s29] =	ssyncset.done $0x0  }
0x9d: {  	[sflag:s29] =	ssyncadd.s32 $0xFFFFCC00  }
0x9e: {  	_ =	swait.ge [sflag:s29], $0x3400  }
0x9f: {  	[sflag:s29] =	ssyncset.done $0x0  }
0xa0: {  	s12 =	sadd.s32 $0xFFFFDA80, s10;
	[sflag:s29] =	ssyncadd.s32 $0xFFFFCC00  }
0xa1: {  	[hbm4b:s12+s3] =	stream.linear.scatter [tilespmem:s20], [sflag:$0xB], $0x6400, $0x38;
	[tilespmem:$0x1C680] =	vst v63  }
0xa2: {  	_ =	swait.ge [sflag:s30], $0x6400  }
0xa3: {  	[sflag:s30] =	ssyncset.done $0x0  }
0xa4: {  	[sflag:s30] =	ssyncadd.s32 $0xFFFF9C00  }
0xa5: {  	[tilespmem:s15], [sflag:$0x2] =	stream.linear.gather [spmem:s2], $0x6800, $0x38;
	[tilespmem:$0x1C680] =	vst v63  }
0xa6: {  	_ =	swait.ge [sflag:s16], $0x6800  }
0xa7: {  	[sflag:s16] =	ssyncset.done $0x0  }
0xa8: {  	s12 =	sadd.s32 $0x400, s13;
	[sflag:s16] =	ssyncadd.s32 $0xFFFF9800  }
0xa9: {  	[tilespmem:s14], [sflag:$0x5] =	stream.indirect.gather.add.f32 [hbm:s1], $0x80, s12, s17, $0xb8;
	[tilespmem:$0x1C680] =	vst v63  }
0xaa: {  	s12 =	sadd.s32 $0x480, s13  }
0xab: {  	[tilespmem:s19], [sflag:$0x5] =	stream.indirect.gather.add.f32 [hbm:s1], $0x80, s12, s17, $0xb8;
	[tilespmem:$0x1C680] =	vst v63  }
0xac: {  	_ =	swait.ge [sflag:s4], $0x3400  }
0xad: {  	[sflag:s4] =	ssyncset.done $0x0  }
0xae: {  	[sflag:s4] =	ssyncadd.s32 $0xFFFFCC00  }
0xaf: {  	_ =	swait.ge [sflag:s4], $0x3400  }
0xb0: {  	[sflag:s4] =	ssyncset.done $0x0  }
0xb1: {  	s12 =	sadd.s32 $0xFFFFE700, s10;
	[sflag:s4] =	ssyncadd.s32 $0xFFFFCC00  }
0xb2: {  	[hbm4b:s12+s3] =	stream.linear.scatter [tilespmem:s26], [sflag:$0xC], $0x6400, $0x38;
	[tilespmem:$0x1C680] =	vst v63  }
0xb3: {  	_ =	swait.ge [sflag:s5], $0x6400  }
0xb4: {  	[sflag:s5] =	ssyncset.done $0x0  }
0xb5: {  	[sflag:s5] =	ssyncadd.s32 $0xFFFF9C00  }
0xb6: {  	[tilespmem:s20], [sflag:$0x3] =	stream.linear.gather [spmem:s2], $0x6800, $0x38;
	[tilespmem:$0x1C680] =	vst v63  }
0xb7: {  	_ =	swait.ge [sflag:s21], $0x6800  }
0xb8: {  	[sflag:s21] =	ssyncset.done $0x0  }
0xb9: {  	s12 =	sadd.s32 $0x500, s13;
	[sflag:s21] =	ssyncadd.s32 $0xFFFF9800  }
0xba: {  	[tilespmem:s15], [sflag:$0x6] =	stream.indirect.gather.add.f32 [hbm:s1], $0x80, s12, s17, $0xb8;
	[tilespmem:$0x1C680] =	vst v63  }
0xbb: {  	s12 =	sadd.s32 $0x580, s13  }
0xbc: {  	[tilespmem:s24], [sflag:$0x6] =	stream.indirect.gather.add.f32 [hbm:s1], $0x80, s12, s17, $0xb8;
	[tilespmem:$0x1C680] =	vst v63  }
0xbd: {  	_ =	swait.ge [sflag:s25], $0x3400  }
0xbe: {  	[sflag:s25] =	ssyncset.done $0x0  }
0xbf: {  	[sflag:s25] =	ssyncadd.s32 $0xFFFFCC00  }
0xc0: {  	_ =	swait.ge [sflag:s25], $0x3400  }
0xc1: {  	[sflag:s25] =	ssyncset.done $0x0  }
0xc2: {  	s12 =	sadd.s32 $0xFFFFF380, s10;
	[sflag:s25] =	ssyncadd.s32 $0xFFFFCC00  }
0xc3: {  	[hbm4b:s12+s3] =	stream.linear.scatter [tilespmem:s14], [sflag:$0x9], $0x6400, $0x38;
	[tilespmem:$0x1C680] =	vst v63  }
0xc4: {  	_ =	swait.ge [sflag:s7], $0x6400  }
0xc5: {  	[sflag:s7] =	ssyncset.done $0x0  }
0xc6: {  	[sflag:s7] =	ssyncadd.s32 $0xFFFF9C00  }
0xc7: {  	[tilespmem:s26], [sflag:$0x4] =	stream.linear.gather [spmem:s2], $0x6800, $0x38;
	[tilespmem:$0x1C680] =	vst v63  }
0xc8: {  	_ =	swait.ge [sflag:s28], $0x6800  }
0xc9: {  	[sflag:s28] =	ssyncset.done $0x0  }
0xca: {  	s12 =	sadd.s32 $0x600, s13;
	[sflag:s28] =	ssyncadd.s32 $0xFFFF9800  }
0xcb: {  	[tilespmem:s20], [sflag:$0x7] =	stream.indirect.gather.add.f32 [hbm:s1], $0x80, s12, s17, $0xb8;
	[tilespmem:$0x1C680] =	vst v63  }
0xcc: {  	s12 =	sadd.s32 $0x680, s13  }
0xcd: {  	[tilespmem:s31], [sflag:$0x7] =	stream.indirect.gather.add.f32 [hbm:s1], $0x80, s12, s17, $0xb8;
	[tilespmem:$0x1C680] =	vst v63  }
0xce: {  	_ =	swait.ge [sflag:s0], $0x3400  }
.Ltmp0:
0xcf: {  	[sflag:s0] =	ssyncset.done $0x0;
	(pc) =	sbr.rel @p1 .LBB2_2-.Ltmp0, $4  }
0xd0: {  	[sflag:s0] =	ssyncadd.s32 $0xFFFFCC00  }
0xd1: {  	_ =	swait.ge [sflag:s0], $0x3400  }
0xd2: {  	[sflag:s0] =	ssyncset.done $0x0  }
0xd3: {  	s10 =	sadd.s32 $0x3200, s10;
	[sflag:s0] =	ssyncadd.s32 $0xFFFFCC00  }
0xd4: {  	[hbm4b:s11+s3] =	stream.linear.scatter [tilespmem:s15], [sflag:$0xA], $0x6400, $0x38;
	[tilespmem:$0x1C680] =	vst v63  }
0xd5: {  	_ =	swait.ge [sflag:s22], $0x6800  }
0xd6: {  	[sflag:s22] =	ssyncset.done $0x0  }
0xd7: {  	s9 =	simm.s32 $0x1F00;
	[sflag:s22] =	ssyncadd.s32 $0xFFFF9800  }
0xd8: {  	[tilespmem:s26], [sflag:$0x8] =	stream.indirect.gather.add.f32 [hbm:s1], $0x80, s9, s17, $0xb8;
	[tilespmem:$0x1C680] =	vst v63  }
0xd9: {  	s10 =	simm.s32 $0x1F80  }
0xda: {  	[tilespmem:s23], [sflag:$0x8] =	stream.indirect.gather.add.f32 [hbm:s1], $0x80, s10, s17, $0xb8;
	[tilespmem:$0x1C680] =	vst v63  }
0xdb: {  	_ =	swait.ge [sflag:s29], $0x3400  }
0xdc: {  	[sflag:s29] =	ssyncset.done $0x0  }
0xdd: {  	[sflag:s29] =	ssyncadd.s32 $0xFFFFCC00  }
0xde: {  	_ =	swait.ge [sflag:s29], $0x3400  }
0xdf: {  	[sflag:s29] =	ssyncset.done $0x0  }
0xe0: {  	s11 =	rddreg [dreg:$0x9];
	[sflag:s29] =	ssyncadd.s32 $0xFFFFCC00  }
0xe1: {  	[hbm4b:s11+s3] =	stream.linear.scatter [tilespmem:s20], [sflag:$0xB], $0x6400, $0x38;
	[tilespmem:$0x1C680] =	vst v63  }
0xe2: {  	_ =	swait.ge [sflag:s4], $0x3400  }
0xe3: {  	[sflag:s4] =	ssyncset.done $0x0  }
0xe4: {  	[sflag:s4] =	ssyncadd.s32 $0xFFFFCC00  }
0xe5: {  	_ =	swait.ge [sflag:s4], $0x3400  }
0xe6: {  	[sflag:s4] =	ssyncset.done $0x0  }
0xe7: {  	s12 =	rddreg [dreg:$0xa];
	[sflag:s4] =	ssyncadd.s32 $0xFFFFCC00  }
0xe8: {  	[hbm4b:s12+s3] =	stream.linear.scatter [tilespmem:s26], [sflag:$0xC], $0x6400, $0x38;
	[tilespmem:$0x1C680] =	vst v63  }
0xe9: {  	_ =	swait.ge [sflag:s18], $0x6400  }
0xea: {  	[sflag:s18] =	ssyncset.done $0x0  }
0xeb: {  	[sflag:s18] =	ssyncadd.s32 $0xFFFF9C00  }
0xec: {  	_ =	swait.ge [sflag:s30], $0x6400  }
0xed: {  	[sflag:s30] =	ssyncset.done $0x0  }
0xee: {  	[sflag:s30] =	ssyncadd.s32 $0xFFFF9C00  }
0xef: {  	_ =	swait.ge [sflag:s5], $0x6400  }
0xf0: {  	[sflag:s5] =	ssyncset.done $0x0  }
0xf1: {  	[sflag:s5] =	ssyncadd.s32 $0xFFFF9C00  }
0xf2: {  	_ =	swait.ge [sflag:s7], $0x6400  }
0xf3: {  	s8 =	sadd.s32 $0x1, s8;
	s13 =	rddreg [dreg:$0xb]  }
0xf4: {  	p1 =	sne.s32 s8, s13  }
.Ltmp1:
0xf5: {  	_ = 	snop;
	(pc) =	sbr.rel @p1 .LBB2_1-.Ltmp1, $3  }
0xf6: {  	_ =	sdelay $0x1  }
0xf7: {  	[sflag:s7] =	ssyncset.done $0x0  }
0xf8: {  	[sflag:s7] =	ssyncadd.s32 $0xFFFF9C00  }
0xf9: {  	_ =	sfence.sel $0x180000  }
0xfa: {  	[bflag:$0x0] =	sbarrier.arrive $0xFFFF  }
0xfb: {  	_ =	strace $0x90000047  }
0xfc: {  	[bflag:$0x2] =	sbarrier.arrive $0xFFFF  }
0xfd: {  	s0 =	rddreg [dreg:$0x4]  }
0xfe: {  	s0 =	sadd.s32 @!p0 $0x100000, s0  }
0xff: {  	[sflag:s0] =	ssyncadd.tile.s32 @!p0 $0x1;
	_ =	shalt  }
.Lfunc_end2:
_tile_overlayer_lowered:
.L_overlay_start_2:
0x100: {  	(tag) =	ssettag $0x2  }
0x101: {  	s0 =	rddreg [dreg:$0x0];
	s2 =	stileid.u32  }
0x102: {  	s1 =	rddreg [dreg:$0x1];
	p0 =	sne.s32 s2, $0x0  }
0x103: {  	s3 =	rddreg [dreg:$0x2];
	[bflag:$0x3] =	sbarrier.arrive $0xFFFF;
	s2 =	simm.s32 @!p0 $0x1C0D  }
0x104: {  	[timem:s3], [sflag:s2] =	dma.local @!p0 [hbm:s0], s1  }
0x105: {  	s0 =	simm.s32 @!p0 $0xD  }
0x106: {  	_ =	swait.ge @!p0 [sflag:s0], s1  }
0x107: {  	s1 =	ssub.s32 @!p0 $0x0, s1;
	[sflag:s0] =	ssyncset.done @!p0 $0x0  }
0x108: {  	[sflag:s0] =	ssyncadd.s32 @!p0 s1  }
0x109: {  	[bflag:$0x3] =	sbarrier.arrive $0xFFFF  }
0x10a: {  	_ =	shalt  }

</sc_bundles>
